<compile_context>
chip_gen: v7x
topology: tpu7x:2x2x1
jax: 0.10.2.dev20260603
libtpu: 0.0.44.dev20260713+nightly
codegen_flags: <defaults>
</compile_context>

<pallas_src>
import jax
import jax.numpy as jnp
from jax import lax
from jax.experimental import pallas as pl
from jax.experimental.pallas import tpu as pltpu
from jax.experimental.pallas import tpu_sc as plsc

N = 10000
E = 320000
D = 128
EPS = 1e-5

NC = 2
NS = 16
NW = NC * NS
EPW = E // NW
NPW = 624
NTAIL = N - NS * NPW
K = 64
NFULL = EPW // K
KTAIL = EPW - NFULL * K
NPAIR = NFULL // 2

_mesh = lambda: plsc.VectorSubcoreMesh(core_axis_name="c", subcore_axis_name="s")


def _deg_body(src_hbm, zeros_hbm, out_hbm, idx_all, hist_v):
    cid = lax.axis_index("c")
    sid = lax.axis_index("s")
    wid = sid * NC + cid
    pltpu.sync_copy(zeros_hbm, hist_v)
    pltpu.sync_copy(src_hbm.at[pl.ds(wid * EPW, EPW)], idx_all)
    ones = jnp.ones((16,), jnp.float32)

    def step(k, carry):
        idx16 = idx_all[pl.ds(k * 16, 16)]
        plsc.addupdate_scatter(hist_v, [idx16], ones)
        return carry

    lax.fori_loop(0, EPW // 16, step, 0)
    pltpu.sync_copy(hist_v, out_hbm.at[pl.ds(wid * N, N)])


def _deg_call(src, zeros1):
    f = pl.kernel(
        _deg_body,
        out_type=jax.ShapeDtypeStruct((NW * N,), jnp.float32),
        mesh=_mesh(),
        compiler_params=pltpu.CompilerParams(needs_layout_passes=False),
        scratch_types=[
            pltpu.VMEM((EPW,), jnp.int32),
            pltpu.VMEM((N,), jnp.float32),
        ],
    )
    return f(src, zeros1)


def _agg_body(hs_hbm, src_hbm, dst_hbm, zeros_hbm, out_hbm,
              src_all, dst_all, idxd0, idxd1, rows0, rows1,
              idxd_t, rows_t, acc_sp, sem):
    cid = lax.axis_index("c")
    sid = lax.axis_index("s")
    wid = sid * NC + cid
    pltpu.sync_copy(zeros_hbm.at[pl.ds(sid * NPW, NPW)],
                    acc_sp.at[pl.ds(sid * NPW, NPW)])

    @pl.when(sid == 0)
    def _():
        pltpu.sync_copy(zeros_hbm.at[pl.ds(NS * NPW, NTAIL)],
                        acc_sp.at[pl.ds(NS * NPW, NTAIL)])

    base = wid * EPW
    pltpu.sync_copy(src_hbm.at[pl.ds(base, EPW)], src_all)
    pltpu.sync_copy(dst_hbm.at[pl.ds(base, EPW)], dst_all)
    plsc.subcore_barrier()

    def copy_idx(off, buf, n=K):
        for t in range(n // 16):
            buf[pl.ds(t * 16, 16)] = dst_all[pl.ds(off + t * 16, 16)]

    def gather_start(c, rows):
        return pltpu.async_copy(hs_hbm.at[src_all.at[pl.ds(c * K, K)]],
                                rows, sem)

    def gather_wait(c, rows):
        pltpu.make_async_copy(hs_hbm.at[src_all.at[pl.ds(c * K, K)]],
                              rows, sem).wait()

    copy_idx(0, idxd0)
    gather_start(0, rows0)

    def step(j, carry):
        c0 = 2 * j
        c1 = c0 + 1
        copy_idx(c1 * K, idxd1)
        gather_wait(c0, rows0)
        gather_start(c1, rows1)
        pltpu.sync_copy(rows0, acc_sp.at[idxd0], add=True)

        @pl.when(j < NPAIR - 1)
        def _():
            copy_idx((c0 + 2) * K, idxd0)

        gather_wait(c1, rows1)

        @pl.when(j < NPAIR - 1)
        def _():
            gather_start(c0 + 2, rows0)

        pltpu.sync_copy(rows1, acc_sp.at[idxd1], add=True)
        return carry

    lax.fori_loop(0, NPAIR, step, 0)
    copy_idx(NFULL * K, idxd_t, n=KTAIL)
    pltpu.async_copy(hs_hbm.at[src_all.at[pl.ds(NFULL * K, KTAIL)]],
                     rows_t, sem).wait()
    pltpu.sync_copy(rows_t, acc_sp.at[idxd_t], add=True)
    plsc.subcore_barrier()
    pltpu.sync_copy(acc_sp.at[pl.ds(sid * NPW, NPW)],
                    out_hbm.at[pl.ds(cid * N + sid * NPW, NPW)])

    @pl.when(sid == 0)
    def _():
        pltpu.sync_copy(acc_sp.at[pl.ds(NS * NPW, NTAIL)],
                        out_hbm.at[pl.ds(cid * N + NS * NPW, NTAIL)])


def _agg_call(hs, src, dst, zeros2):
    f = pl.kernel(
        _agg_body,
        out_type=jax.ShapeDtypeStruct((NC * N, D), jnp.float32),
        mesh=_mesh(),
        scratch_types=[
            pltpu.VMEM((EPW,), jnp.int32),
            pltpu.VMEM((EPW,), jnp.int32),
            pltpu.VMEM((K,), jnp.int32),
            pltpu.VMEM((K,), jnp.int32),
            pltpu.VMEM((K, D), jnp.float32),
            pltpu.VMEM((K, D), jnp.float32),
            pltpu.VMEM((KTAIL,), jnp.int32),
            pltpu.VMEM((KTAIL, D), jnp.float32),
            pltpu.VMEM_SHARED((N, D), jnp.float32),
            pltpu.SemaphoreType.DMA,
        ],
    )
    return f(hs, src, dst, zeros2)


def _mm_body(cnt_ref, x_ref, w_ref, hs_ref):
    deg = jnp.sum(cnt_ref[...], axis=0) + 1.0
    dis = lax.rsqrt(deg)
    xs = x_ref[...] * dis[:, None]
    hs_ref[...] = lax.dot_general(xs, w_ref[...], (((1,), (1,)), ((), ())),
                                  preferred_element_type=jnp.float32)


def _mm_call(cnt, x, W):
    return pl.pallas_call(
        _mm_body,
        out_shape=jax.ShapeDtypeStruct((N, D), jnp.float32),
    )(cnt, x, W)


def _bn_body(cnt_ref, accp_ref, hs_ref, g_ref, b_ref, o_ref):
    deg = jnp.sum(cnt_ref[...], axis=0) + 1.0
    dis = lax.rsqrt(deg)
    a = accp_ref[0:N, :] + accp_ref[N:2 * N, :] + hs_ref[...]
    z = jnp.maximum(a * dis[:, None], 0.0)
    mean = jnp.mean(z, axis=0, keepdims=True)
    var = jnp.mean(z * z, axis=0, keepdims=True) - mean * mean
    scale = g_ref[...] * lax.rsqrt(var + EPS)
    o_ref[...] = (z - mean) * scale + b_ref[...]


def _bn_call(cnt, accp, hs, gamma, beta):
    return pl.pallas_call(
        _bn_body,
        out_shape=jax.ShapeDtypeStruct((N, D), jnp.float32),
    )(cnt, accp, hs, gamma.reshape(1, D), beta.reshape(1, D))


def kernel(x, edge_index, W, gamma, beta):
    src = edge_index[0]
    dst = edge_index[1]
    zeros1 = jnp.zeros((N,), jnp.float32)
    zeros2 = jnp.zeros((N, D), jnp.float32)

    cnt = _deg_call(src, zeros1).reshape(NW, N)
    hs = _mm_call(cnt, x, W)
    accp = _agg_call(hs, src, dst, zeros2)
    return _bn_call(cnt, accp, hs, gamma, beta)

# --- scband reference (transcript-rebuilt; emitter-appended) ---
"""Pipeline reference for scband-gcnlayer-34522947125341 (READ-ONLY COPY).

The authoritative reference and input builder live on the scoring server;
editing this copy changes nothing except your own understanding.
"""

import jax, jax.numpy as jnp
import numpy as np

N = 10000
E = 320000
D_IN = 128
D_OUT = 128
EPS = 1e-5


def setup_inputs(seed: int = 0) -> dict:
    key = jax.random.key(seed)
    k1, k2, k3, k4 = jax.random.split(key, 4)
    x = jax.random.normal(k1, (N, D_IN), dtype=jnp.float32)
    edge_index = jax.random.randint(k2, (2, E), 0, N, dtype=jnp.int32)
    # linear weight, torch layout [out_features, in_features], bias=False
    W = jax.random.normal(k3, (D_OUT, D_IN), dtype=jnp.float32) * (1.0 / np.sqrt(D_IN))
    # batch norm affine params
    gamma = jnp.ones((D_OUT,), dtype=jnp.float32)
    beta = jnp.zeros((D_OUT,), dtype=jnp.float32)
    return {"x": x, "edge_index": edge_index, "W": W, "gamma": gamma, "beta": beta}


def reference(x, edge_index, W, gamma, beta):
    h = x @ W.T
    num_nodes = h.shape[0]
    # add self loops with fill_value=1.0
    loop = jnp.arange(num_nodes, dtype=edge_index.dtype)
    ei = jnp.concatenate([edge_index, jnp.stack([loop, loop], axis=0)], axis=1)
    ew = jnp.ones((ei.shape[1],), dtype=h.dtype)
    row = ei[0]
    dst = ei[1]
    # degree of source nodes (count of occurrences)
    deg = jnp.zeros((num_nodes,), dtype=h.dtype).at[row].add(1.0)
    deg_inv_sqrt = jnp.power(deg, -0.5)
    deg_inv_sqrt = jnp.where(jnp.isinf(deg_inv_sqrt), 0.0, deg_inv_sqrt)
    norm_weight = deg_inv_sqrt[row] * ew * deg_inv_sqrt[dst]
    # scatter-add message passing
    out = jnp.zeros_like(h).at[dst].add(h[row] * norm_weight[:, None])
    # relu
    out = jnp.maximum(out, 0.0)
    # batch norm (training mode: batch stats, biased variance)
    mean = jnp.mean(out, axis=0)
    var = jnp.mean((out - mean) ** 2, axis=0)
    out = (out - mean) / jnp.sqrt(var + EPS) * gamma + beta
    # dropout p=0.0 -> identity
    return out

if __name__ == "__main__":
    import jax
    _d = setup_inputs()
    print(jax.jit(kernel)(*tuple(_d.values())))

</pallas_src>

<mosaic_0001>
#map = affine_map<(d0, d1) -> (0, 0)>
#map1 = affine_map<(d0, d1) -> (0)>
module attributes {stable_mosaic.version = 14 : i64} {
  func.func @_agg_body(%arg0: i32, %arg1: i32, %arg2: memref<10000x128xf32, #tpu.memory_space<hbm>>, %arg3: memref<320000xi32, #tpu.memory_space<hbm>>, %arg4: memref<320000xi32, #tpu.memory_space<hbm>>, %arg5: memref<10000x128xf32, #tpu.memory_space<hbm>>, %arg6: memref<20000x128xf32, #tpu.memory_space<hbm>>, %arg7: memref<10000xi32, #tpu.memory_space<vmem>>, %arg8: memref<10000xi32, #tpu.memory_space<vmem>>, %arg9: memref<64xi32, #tpu.memory_space<vmem>>, %arg10: memref<64xi32, #tpu.memory_space<vmem>>, %arg11: memref<64x128xf32, #tpu.memory_space<vmem>>, %arg12: memref<64x128xf32, #tpu.memory_space<vmem>>, %arg13: memref<16xi32, #tpu.memory_space<vmem>>, %arg14: memref<16x128xf32, #tpu.memory_space<vmem>>, %arg15: memref<10000x128xf32, #tpu.memory_space<vmem_shared>>, %arg16: memref<!tpu.dma_semaphore, #tpu.memory_space<semaphore_mem>>) attributes {dimension_semantics = [#tpu.dimension_semantics<core_parallel>, #tpu.dimension_semantics<subcore_parallel>], iteration_bounds = array<i64: 2, 16>, scalar_prefetch = 0 : i64, scratch_operands = 10 : i64, tpu.core_type = #tpu.core_type<sc_vector_subcore>, window_params = [{transform_indices = #map}, {transform_indices = #map1}, {transform_indices = #map1}, {transform_indices = #map}, {transform_indices = #map}]} {
    %mul3A = arith.constant 2 : i32
    %mul3A_0 = arith.muli %arg1, %mul3A : i32
    %add3A = arith.addi %mul3A_0, %arg0 : i32
    %mul3A_1 = arith.constant 624 : i32
    %mul3A_2 = arith.muli %arg1, %mul3A_1 : i32
    %mul3A_3 = arith.constant 624 : i32
    %mul3A_4 = arith.muli %arg1, %mul3A_3 : i32
    "tpu.region"() ({
      %run_scoped3A = tpu.sem_alloc : memref<!tpu.dma_semaphore, #tpu.memory_space<semaphore_mem>>
      %dma_start3A_73 = arith.constant 0 : i32
      %dma_start3A_74 = tpu.memref_slice %arg15[%mul3A_4, %dma_start3A_73] : memref<10000x128xf32, #tpu.memory_space<vmem_shared>> -> memref<624x128xf32, #tpu.memory_space<vmem_shared>>
      %dma_start3A_75 = arith.constant 0 : i32
      %dma_start3A_76 = tpu.memref_slice %arg5[%mul3A_2, %dma_start3A_75] : memref<10000x128xf32, #tpu.memory_space<hbm>> -> memref<624x128xf32, #tpu.memory_space<hbm>>
      tpu.enqueue_dma source(%dma_start3A_76 : memref<624x128xf32, #tpu.memory_space<hbm>>) target(%dma_start3A_74 : memref<624x128xf32, #tpu.memory_space<vmem_shared>>) target_semaphore(%run_scoped3A : memref<!tpu.dma_semaphore, #tpu.memory_space<semaphore_mem>>)
      %dma_wait3A_77 = arith.constant 0 : i32
      %dma_wait3A_78 = tpu.memref_slice %arg15[%mul3A_4, %dma_wait3A_77] : memref<10000x128xf32, #tpu.memory_space<vmem_shared>> -> memref<624x128xf32, #tpu.memory_space<vmem_shared>>
      %dma_wait3A_79 = arith.constant 0 : i32
      %dma_wait3A_80 = tpu.memref_slice %arg5[%mul3A_2, %dma_wait3A_79] : memref<10000x128xf32, #tpu.memory_space<hbm>> -> memref<624x128xf32, #tpu.memory_space<hbm>>
      tpu.wait_dma2 semaphore(%run_scoped3A : memref<!tpu.dma_semaphore, #tpu.memory_space<semaphore_mem>>) src(%dma_wait3A_80 : memref<624x128xf32, #tpu.memory_space<hbm>>) dst(%dma_wait3A_78 : memref<624x128xf32, #tpu.memory_space<vmem_shared>>)
      tpu.yield
    }) : () -> ()
    %eq3A = arith.constant 0 : i32
    %eq3A_5 = arith.cmpi eq, %arg1, %eq3A : i32
    %convert_element_type3A = arith.extui %eq3A_5 : i1 to i32
    %cond3A = arith.constant 0 : i32
    %cond3A_6 = arith.cmpi ne, %convert_element_type3A, %cond3A : i32
    scf.if %cond3A_6 {
      "tpu.region"() ({
        %run_scoped3A = tpu.sem_alloc : memref<!tpu.dma_semaphore, #tpu.memory_space<semaphore_mem>>
        %dma_start3A_73 = arith.constant 9984 : i32
        %dma_start3A_74 = arith.constant 0 : i32
        %dma_start3A_75 = tpu.memref_slice %arg15[%dma_start3A_73, %dma_start3A_74] : memref<10000x128xf32, #tpu.memory_space<vmem_shared>> -> memref<16x128xf32, #tpu.memory_space<vmem_shared>>
        %dma_start3A_76 = arith.constant 9984 : i32
        %dma_start3A_77 = arith.constant 0 : i32
        %dma_start3A_78 = tpu.memref_slice %arg5[%dma_start3A_76, %dma_start3A_77] : memref<10000x128xf32, #tpu.memory_space<hbm>> -> memref<16x128xf32, #tpu.memory_space<hbm>>
        tpu.enqueue_dma source(%dma_start3A_78 : memref<16x128xf32, #tpu.memory_space<hbm>>) target(%dma_start3A_75 : memref<16x128xf32, #tpu.memory_space<vmem_shared>>) target_semaphore(%run_scoped3A : memref<!tpu.dma_semaphore, #tpu.memory_space<semaphore_mem>>)
        %dma_wait3A_79 = arith.constant 9984 : i32
        %dma_wait3A_80 = arith.constant 0 : i32
        %dma_wait3A_81 = tpu.memref_slice %arg15[%dma_wait3A_79, %dma_wait3A_80] : memref<10000x128xf32, #tpu.memory_space<vmem_shared>> -> memref<16x128xf32, #tpu.memory_space<vmem_shared>>
        %dma_wait3A_82 = arith.constant 9984 : i32
        %dma_wait3A_83 = arith.constant 0 : i32
        %dma_wait3A_84 = tpu.memref_slice %arg5[%dma_wait3A_82, %dma_wait3A_83] : memref<10000x128xf32, #tpu.memory_space<hbm>> -> memref<16x128xf32, #tpu.memory_space<hbm>>
        tpu.wait_dma2 semaphore(%run_scoped3A : memref<!tpu.dma_semaphore, #tpu.memory_space<semaphore_mem>>) src(%dma_wait3A_84 : memref<16x128xf32, #tpu.memory_space<hbm>>) dst(%dma_wait3A_81 : memref<16x128xf32, #tpu.memory_space<vmem_shared>>)
        tpu.yield
      }) : () -> ()
    } else {
    }
    %mul3A_7 = arith.constant 10000 : i32
    %mul3A_8 = arith.muli %add3A, %mul3A_7 : i32
    "tpu.region"() ({
      %run_scoped3A = tpu.sem_alloc : memref<!tpu.dma_semaphore, #tpu.memory_space<semaphore_mem>>
      %dma_start3A_73 = tpu.memref_slice %arg3[%mul3A_8] : memref<320000xi32, #tpu.memory_space<hbm>> -> memref<10000xi32, #tpu.memory_space<hbm>>
      %dma_start3A_74 = tpu.memref_slice %arg3[%mul3A_8] : memref<320000xi32, #tpu.memory_space<hbm>> -> memref<10000xi32, #tpu.memory_space<hbm>>
      tpu.enqueue_dma source(%dma_start3A_74 : memref<10000xi32, #tpu.memory_space<hbm>>) target(%arg7 : memref<10000xi32, #tpu.memory_space<vmem>>) target_semaphore(%run_scoped3A : memref<!tpu.dma_semaphore, #tpu.memory_space<semaphore_mem>>)
      %dma_wait3A_75 = tpu.memref_slice %arg3[%mul3A_8] : memref<320000xi32, #tpu.memory_space<hbm>> -> memref<10000xi32, #tpu.memory_space<hbm>>
      %dma_wait3A_76 = tpu.memref_slice %arg3[%mul3A_8] : memref<320000xi32, #tpu.memory_space<hbm>> -> memref<10000xi32, #tpu.memory_space<hbm>>
      tpu.wait_dma2 semaphore(%run_scoped3A : memref<!tpu.dma_semaphore, #tpu.memory_space<semaphore_mem>>) src(%dma_wait3A_76 : memref<10000xi32, #tpu.memory_space<hbm>>) dst(%arg7 : memref<10000xi32, #tpu.memory_space<vmem>>)
      tpu.yield
    }) : () -> ()
    "tpu.region"() ({
      %run_scoped3A = tpu.sem_alloc : memref<!tpu.dma_semaphore, #tpu.memory_space<semaphore_mem>>
      %dma_start3A_73 = tpu.memref_slice %arg4[%mul3A_8] : memref<320000xi32, #tpu.memory_space<hbm>> -> memref<10000xi32, #tpu.memory_space<hbm>>
      %dma_start3A_74 = tpu.memref_slice %arg4[%mul3A_8] : memref<320000xi32, #tpu.memory_space<hbm>> -> memref<10000xi32, #tpu.memory_space<hbm>>
      tpu.enqueue_dma source(%dma_start3A_74 : memref<10000xi32, #tpu.memory_space<hbm>>) target(%arg8 : memref<10000xi32, #tpu.memory_space<vmem>>) target_semaphore(%run_scoped3A : memref<!tpu.dma_semaphore, #tpu.memory_space<semaphore_mem>>)
      %dma_wait3A_75 = tpu.memref_slice %arg4[%mul3A_8] : memref<320000xi32, #tpu.memory_space<hbm>> -> memref<10000xi32, #tpu.memory_space<hbm>>
      %dma_wait3A_76 = tpu.memref_slice %arg4[%mul3A_8] : memref<320000xi32, #tpu.memory_space<hbm>> -> memref<10000xi32, #tpu.memory_space<hbm>>
      tpu.wait_dma2 semaphore(%run_scoped3A : memref<!tpu.dma_semaphore, #tpu.memory_space<semaphore_mem>>) src(%dma_wait3A_76 : memref<10000xi32, #tpu.memory_space<hbm>>) dst(%arg8 : memref<10000xi32, #tpu.memory_space<vmem>>)
      tpu.yield
    }) : () -> ()
    %barrier3A = arith.constant 0 : index
    tpu.barrier barrier_id(%barrier3A)
    %get3A = arith.constant 0 : index
    %get3A_9 = tpu.vector_load %arg8[%get3A] {strides = array<i32>} : memref<10000xi32, #tpu.memory_space<vmem>>, vector<16xi32>,
    %get3A_10 = vector.shape_cast %get3A_9 : vector<16xi32> to vector<16xi32>
    %swap3A = arith.constant 0 : index
    %swap3A_11 = tpu.vector_load %arg9[%swap3A] {strides = array<i32>} : memref<64xi32, #tpu.memory_space<vmem>>, vector<16xi32>,
    %swap3A_12 = vector.shape_cast %swap3A_11 : vector<16xi32> to vector<16xi32>
    %swap3A_13 = vector.shape_cast %get3A_10 : vector<16xi32> to vector<16xi32>
    tpu.vector_store %arg9[%swap3A], %swap3A_13 {strides = array<i32>} : memref<64xi32, #tpu.memory_space<vmem>>, vector<16xi32>,
    %get3A_14 = arith.constant 16 : index
    %get3A_15 = tpu.vector_load %arg8[%get3A_14] {strides = array<i32>} : memref<10000xi32, #tpu.memory_space<vmem>>, vector<16xi32>,
    %get3A_16 = vector.shape_cast %get3A_15 : vector<16xi32> to vector<16xi32>
    %swap3A_17 = arith.constant 16 : index
    %swap3A_18 = tpu.vector_load %arg9[%swap3A_17] {strides = array<i32>} : memref<64xi32, #tpu.memory_space<vmem>>, vector<16xi32>,
    %swap3A_19 = vector.shape_cast %swap3A_18 : vector<16xi32> to vector<16xi32>
    %swap3A_20 = vector.shape_cast %get3A_16 : vector<16xi32> to vector<16xi32>
    tpu.vector_store %arg9[%swap3A_17], %swap3A_20 {strides = array<i32>} : memref<64xi32, #tpu.memory_space<vmem>>, vector<16xi32>,
    %get3A_21 = arith.constant 32 : index
    %get3A_22 = tpu.vector_load %arg8[%get3A_21] {strides = array<i32>} : memref<10000xi32, #tpu.memory_space<vmem>>, vector<16xi32>,
    %get3A_23 = vector.shape_cast %get3A_22 : vector<16xi32> to vector<16xi32>
    %swap3A_24 = arith.constant 32 : index
    %swap3A_25 = tpu.vector_load %arg9[%swap3A_24] {strides = array<i32>} : memref<64xi32, #tpu.memory_space<vmem>>, vector<16xi32>,
    %swap3A_26 = vector.shape_cast %swap3A_25 : vector<16xi32> to vector<16xi32>
    %swap3A_27 = vector.shape_cast %get3A_23 : vector<16xi32> to vector<16xi32>
    tpu.vector_store %arg9[%swap3A_24], %swap3A_27 {strides = array<i32>} : memref<64xi32, #tpu.memory_space<vmem>>, vector<16xi32>,
    %get3A_28 = arith.constant 48 : index
    %get3A_29 = tpu.vector_load %arg8[%get3A_28] {strides = array<i32>} : memref<10000xi32, #tpu.memory_space<vmem>>, vector<16xi32>,
    %get3A_30 = vector.shape_cast %get3A_29 : vector<16xi32> to vector<16xi32>
    %swap3A_31 = arith.constant 48 : index
    %swap3A_32 = tpu.vector_load %arg9[%swap3A_31] {strides = array<i32>} : memref<64xi32, #tpu.memory_space<vmem>>, vector<16xi32>,
    %swap3A_33 = vector.shape_cast %swap3A_32 : vector<16xi32> to vector<16xi32>
    %swap3A_34 = vector.shape_cast %get3A_30 : vector<16xi32> to vector<16xi32>
    tpu.vector_store %arg9[%swap3A_31], %swap3A_34 {strides = array<i32>} : memref<64xi32, #tpu.memory_space<vmem>>, vector<16xi32>,
    %dma_start3A = arith.constant 0 : i32
    %dma_start3A_35 = tpu.memref_slice %arg7[%dma_start3A] : memref<10000xi32, #tpu.memory_space<vmem>> -> memref<64xi32, #tpu.memory_space<vmem>>
    %dma_start3A_36 = arith.constant 0 : i32
    %dma_start3A_37 = arith.constant 0 : i32
    %dma_start3A_38 = tpu.memref_slice %arg2[%dma_start3A_36, %dma_start3A_37] : memref<10000x128xf32, #tpu.memory_space<hbm>> -> memref<10000x128xf32, #tpu.memory_space<hbm>>
    tpu.enqueue_indirect_dma source(%dma_start3A_38 : memref<10000x128xf32, #tpu.memory_space<hbm>>) target(%arg11 : memref<64x128xf32, #tpu.memory_space<vmem>>) offsets(%dma_start3A_35 : memref<64xi32, #tpu.memory_space<vmem>>) semaphore(%arg16 : memref<!tpu.dma_semaphore, #tpu.memory_space<semaphore_mem>>)
    %scan3A = arith.constant 0 : i32
    %scan3A_39 = arith.constant 0 : i32
    %scan3A_40 = arith.constant 78 : i32
    %scan3A_41 = arith.addi %scan3A_39, %scan3A_40 : i32
    %scan3A_42 = arith.constant 1 : i32
    scf.for %scan3A_73 = %scan3A_39 to %scan3A_41 step %scan3A_42  : i32 {
      %mul3A_74 = arith.constant 2 : i32
      %mul3A_75 = arith.muli %mul3A_74, %scan3A_73 : i32
      %add3A_76 = arith.constant 1 : i32
      %add3A_77 = arith.addi %mul3A_75, %add3A_76 : i32
      %mul3A_78 = arith.constant 64 : i32
      %mul3A_79 = arith.muli %add3A_77, %mul3A_78 : i32
      %add3A_80 = arith.constant 0 : i32
      %add3A_81 = arith.addi %mul3A_79, %add3A_80 : i32
      %get3A_82 = arith.index_cast %add3A_81 : i32 to index
      %get3A_83 = tpu.vector_load %arg8[%get3A_82] {strides = array<i32>} : memref<10000xi32, #tpu.memory_space<vmem>>, vector<16xi32>,
      %swap3A_84 = arith.constant 0 : index
      %swap3A_85 = tpu.vector_load %arg10[%swap3A_84] {strides = array<i32>} : memref<64xi32, #tpu.memory_space<vmem>>, vector<16xi32>,
      %swap3A_86 = vector.shape_cast %swap3A_85 : vector<16xi32> to vector<16xi32>
      %swap3A_87 = vector.shape_cast %get3A_83 : vector<16xi32> to vector<16xi32>
      tpu.vector_store %arg10[%swap3A_84], %swap3A_87 {strides = array<i32>} : memref<64xi32, #tpu.memory_space<vmem>>, vector<16xi32>,
      %add3A_88 = arith.constant 16 : i32
      %add3A_89 = arith.addi %mul3A_79, %add3A_88 : i32
      %get3A_90 = arith.index_cast %add3A_89 : i32 to index
      %get3A_91 = tpu.vector_load %arg8[%get3A_90] {strides = array<i32>} : memref<10000xi32, #tpu.memory_space<vmem>>, vector<16xi32>,
      %swap3A_92 = arith.constant 16 : index
      %swap3A_93 = tpu.vector_load %arg10[%swap3A_92] {strides = array<i32>} : memref<64xi32, #tpu.memory_space<vmem>>, vector<16xi32>,
      %swap3A_94 = vector.shape_cast %swap3A_93 : vector<16xi32> to vector<16xi32>
      %swap3A_95 = vector.shape_cast %get3A_91 : vector<16xi32> to vector<16xi32>
      tpu.vector_store %arg10[%swap3A_92], %swap3A_95 {strides = array<i32>} : memref<64xi32, #tpu.memory_space<vmem>>, vector<16xi32>,
      %add3A_96 = arith.constant 32 : i32
      %add3A_97 = arith.addi %mul3A_79, %add3A_96 : i32
      %get3A_98 = arith.index_cast %add3A_97 : i32 to index
      %get3A_99 = tpu.vector_load %arg8[%get3A_98] {strides = array<i32>} : memref<10000xi32, #tpu.memory_space<vmem>>, vector<16xi32>,
      %swap3A_100 = arith.constant 32 : index
      %swap3A_101 = tpu.vector_load %arg10[%swap3A_100] {strides = array<i32>} : memref<64xi32, #tpu.memory_space<vmem>>, vector<16xi32>,
      %swap3A_102 = vector.shape_cast %swap3A_101 : vector<16xi32> to vector<16xi32>
      %swap3A_103 = vector.shape_cast %get3A_99 : vector<16xi32> to vector<16xi32>
      tpu.vector_store %arg10[%swap3A_100], %swap3A_103 {strides = array<i32>} : memref<64xi32, #tpu.memory_space<vmem>>, vector<16xi32>,
      %add3A_104 = arith.constant 48 : i32
      %add3A_105 = arith.addi %mul3A_79, %add3A_104 : i32
      %get3A_106 = arith.index_cast %add3A_105 : i32 to index
      %get3A_107 = tpu.vector_load %arg8[%get3A_106] {strides = array<i32>} : memref<10000xi32, #tpu.memory_space<vmem>>, vector<16xi32>,
      %swap3A_108 = arith.constant 48 : index
      %swap3A_109 = tpu.vector_load %arg10[%swap3A_108] {strides = array<i32>} : memref<64xi32, #tpu.memory_space<vmem>>, vector<16xi32>,
      %swap3A_110 = vector.shape_cast %swap3A_109 : vector<16xi32> to vector<16xi32>
      %swap3A_111 = vector.shape_cast %get3A_107 : vector<16xi32> to vector<16xi32>
      tpu.vector_store %arg10[%swap3A_108], %swap3A_111 {strides = array<i32>} : memref<64xi32, #tpu.memory_space<vmem>>, vector<16xi32>,
      %mul3A_112 = arith.constant 64 : i32
      %mul3A_113 = arith.muli %mul3A_75, %mul3A_112 : i32
      %dma_wait3A_114 = tpu.memref_slice %arg7[%mul3A_113] : memref<10000xi32, #tpu.memory_space<vmem>> -> memref<64xi32, #tpu.memory_space<vmem>>
      %dma_wait3A_115 = arith.constant 0 : i32
      %dma_wait3A_116 = arith.constant 0 : i32
      %dma_wait3A_117 = tpu.memref_slice %arg2[%dma_wait3A_115, %dma_wait3A_116] : memref<10000x128xf32, #tpu.memory_space<hbm>> -> memref<10000x128xf32, #tpu.memory_space<hbm>>
      tpu.wait_indirect_dma semaphore(%arg16 : memref<!tpu.dma_semaphore, #tpu.memory_space<semaphore_mem>>) src(%dma_wait3A_117 : memref<10000x128xf32, #tpu.memory_space<hbm>>) dst(%arg11 : memref<64x128xf32, #tpu.memory_space<vmem>>)
      %mul3A_118 = arith.constant 64 : i32
      %mul3A_119 = arith.muli %add3A_77, %mul3A_118 : i32
      %dma_start3A_120 = tpu.memref_slice %arg7[%mul3A_119] : memref<10000xi32, #tpu.memory_space<vmem>> -> memref<64xi32, #tpu.memory_space<vmem>>
      %dma_start3A_121 = arith.constant 0 : i32
      %dma_start3A_122 = arith.constant 0 : i32
      %dma_start3A_123 = tpu.memref_slice %arg2[%dma_start3A_121, %dma_start3A_122] : memref<10000x128xf32, #tpu.memory_space<hbm>> -> memref<10000x128xf32, #tpu.memory_space<hbm>>
      tpu.enqueue_indirect_dma source(%dma_start3A_123 : memref<10000x128xf32, #tpu.memory_space<hbm>>) target(%arg12 : memref<64x128xf32, #tpu.memory_space<vmem>>) offsets(%dma_start3A_120 : memref<64xi32, #tpu.memory_space<vmem>>) semaphore(%arg16 : memref<!tpu.dma_semaphore, #tpu.memory_space<semaphore_mem>>)
      "tpu.region"() ({
        %run_scoped3A = tpu.sem_alloc : memref<!tpu.dma_semaphore, #tpu.memory_space<semaphore_mem>>
        %dma_start3A_139 = arith.constant 0 : i32
        %dma_start3A_140 = arith.constant 0 : i32
        %dma_start3A_141 = tpu.memref_slice %arg15[%dma_start3A_139, %dma_start3A_140] : memref<10000x128xf32, #tpu.memory_space<vmem_shared>> -> memref<10000x128xf32, #tpu.memory_space<vmem_shared>>
        tpu.enqueue_indirect_dma source(%arg11 : memref<64x128xf32, #tpu.memory_space<vmem>>) target(%dma_start3A_141 : memref<10000x128xf32, #tpu.memory_space<vmem_shared>>) offsets(%arg9 : memref<64xi32, #tpu.memory_space<vmem>>) semaphore(%run_scoped3A : memref<!tpu.dma_semaphore, #tpu.memory_space<semaphore_mem>>) {add = true}
        %dma_wait3A_142 = arith.constant 0 : i32
        %dma_wait3A_143 = arith.constant 0 : i32
        %dma_wait3A_144 = tpu.memref_slice %arg15[%dma_wait3A_142, %dma_wait3A_143] : memref<10000x128xf32, #tpu.memory_space<vmem_shared>> -> memref<10000x128xf32, #tpu.memory_space<vmem_shared>>
        tpu.wait_indirect_dma semaphore(%run_scoped3A : memref<!tpu.dma_semaphore, #tpu.memory_space<semaphore_mem>>) src(%arg11 : memref<64x128xf32, #tpu.memory_space<vmem>>) dst(%dma_wait3A_144 : memref<10000x128xf32, #tpu.memory_space<vmem_shared>>)
        tpu.yield
      }) : () -> ()
      %lt3A = arith.constant 77 : i32
      %lt3A_124 = arith.cmpi slt, %scan3A_73, %lt3A : i32
      %convert_element_type3A_125 = arith.extui %lt3A_124 : i1 to i32
      %cond3A_126 = arith.constant 0 : i32
      %cond3A_127 = arith.cmpi ne, %convert_element_type3A_125, %cond3A_126 : i32
      scf.if %cond3A_127 {
        %add3A_139 = arith.constant 2 : i32
        %add3A_140 = arith.addi %mul3A_75, %add3A_139 : i32
        %mul3A_141 = arith.constant 64 : i32
        %mul3A_142 = arith.muli %add3A_140, %mul3A_141 : i32
        %add3A_143 = arith.constant 0 : i32
        %add3A_144 = arith.addi %mul3A_142, %add3A_143 : i32
        %get3A_145 = arith.index_cast %add3A_144 : i32 to index
        %get3A_146 = tpu.vector_load %arg8[%get3A_145] {strides = array<i32>} : memref<10000xi32, #tpu.memory_space<vmem>>, vector<16xi32>,
        %swap3A_147 = arith.constant 0 : index
        %swap3A_148 = tpu.vector_load %arg9[%swap3A_147] {strides = array<i32>} : memref<64xi32, #tpu.memory_space<vmem>>, vector<16xi32>,
        %swap3A_149 = vector.shape_cast %swap3A_148 : vector<16xi32> to vector<16xi32>
        %swap3A_150 = vector.shape_cast %get3A_146 : vector<16xi32> to vector<16xi32>
        tpu.vector_store %arg9[%swap3A_147], %swap3A_150 {strides = array<i32>} : memref<64xi32, #tpu.memory_space<vmem>>, vector<16xi32>,
        %add3A_151 = arith.constant 16 : i32
        %add3A_152 = arith.addi %mul3A_142, %add3A_151 : i32
        %get3A_153 = arith.index_cast %add3A_152 : i32 to index
        %get3A_154 = tpu.vector_load %arg8[%get3A_153] {strides = array<i32>} : memref<10000xi32, #tpu.memory_space<vmem>>, vector<16xi32>,
        %swap3A_155 = arith.constant 16 : index
        %swap3A_156 = tpu.vector_load %arg9[%swap3A_155] {strides = array<i32>} : memref<64xi32, #tpu.memory_space<vmem>>, vector<16xi32>,
        %swap3A_157 = vector.shape_cast %swap3A_156 : vector<16xi32> to vector<16xi32>
        %swap3A_158 = vector.shape_cast %get3A_154 : vector<16xi32> to vector<16xi32>
        tpu.vector_store %arg9[%swap3A_155], %swap3A_158 {strides = array<i32>} : memref<64xi32, #tpu.memory_space<vmem>>, vector<16xi32>,
        %add3A_159 = arith.constant 32 : i32
        %add3A_160 = arith.addi %mul3A_142, %add3A_159 : i32
        %get3A_161 = arith.index_cast %add3A_160 : i32 to index
        %get3A_162 = tpu.vector_load %arg8[%get3A_161] {strides = array<i32>} : memref<10000xi32, #tpu.memory_space<vmem>>, vector<16xi32>,
        %swap3A_163 = arith.constant 32 : index
        %swap3A_164 = tpu.vector_load %arg9[%swap3A_163] {strides = array<i32>} : memref<64xi32, #tpu.memory_space<vmem>>, vector<16xi32>,
        %swap3A_165 = vector.shape_cast %swap3A_164 : vector<16xi32> to vector<16xi32>
        %swap3A_166 = vector.shape_cast %get3A_162 : vector<16xi32> to vector<16xi32>
        tpu.vector_store %arg9[%swap3A_163], %swap3A_166 {strides = array<i32>} : memref<64xi32, #tpu.memory_space<vmem>>, vector<16xi32>,
        %add3A_167 = arith.constant 48 : i32
        %add3A_168 = arith.addi %mul3A_142, %add3A_167 : i32
        %get3A_169 = arith.index_cast %add3A_168 : i32 to index
        %get3A_170 = tpu.vector_load %arg8[%get3A_169] {strides = array<i32>} : memref<10000xi32, #tpu.memory_space<vmem>>, vector<16xi32>,
        %swap3A_171 = arith.constant 48 : index
        %swap3A_172 = tpu.vector_load %arg9[%swap3A_171] {strides = array<i32>} : memref<64xi32, #tpu.memory_space<vmem>>, vector<16xi32>,
        %swap3A_173 = vector.shape_cast %swap3A_172 : vector<16xi32> to vector<16xi32>
        %swap3A_174 = vector.shape_cast %get3A_170 : vector<16xi32> to vector<16xi32>
        tpu.vector_store %arg9[%swap3A_171], %swap3A_174 {strides = array<i32>} : memref<64xi32, #tpu.memory_space<vmem>>, vector<16xi32>,
      } else {
      }
      %mul3A_128 = arith.constant 64 : i32
      %mul3A_129 = arith.muli %add3A_77, %mul3A_128 : i32
      %dma_wait3A_130 = tpu.memref_slice %arg7[%mul3A_129] : memref<10000xi32, #tpu.memory_space<vmem>> -> memref<64xi32, #tpu.memory_space<vmem>>
      %dma_wait3A_131 = arith.constant 0 : i32
      %dma_wait3A_132 = arith.constant 0 : i32
      %dma_wait3A_133 = tpu.memref_slice %arg2[%dma_wait3A_131, %dma_wait3A_132] : memref<10000x128xf32, #tpu.memory_space<hbm>> -> memref<10000x128xf32, #tpu.memory_space<hbm>>
      tpu.wait_indirect_dma semaphore(%arg16 : memref<!tpu.dma_semaphore, #tpu.memory_space<semaphore_mem>>) src(%dma_wait3A_133 : memref<10000x128xf32, #tpu.memory_space<hbm>>) dst(%arg12 : memref<64x128xf32, #tpu.memory_space<vmem>>)
      %lt3A_134 = arith.constant 77 : i32
      %lt3A_135 = arith.cmpi slt, %scan3A_73, %lt3A_134 : i32
      %convert_element_type3A_136 = arith.extui %lt3A_135 : i1 to i32
      %cond3A_137 = arith.constant 0 : i32
      %cond3A_138 = arith.cmpi ne, %convert_element_type3A_136, %cond3A_137 : i32
      scf.if %cond3A_138 {
        %add3A_139 = arith.constant 2 : i32
        %add3A_140 = arith.addi %mul3A_75, %add3A_139 : i32
        %mul3A_141 = arith.constant 64 : i32
        %mul3A_142 = arith.muli %add3A_140, %mul3A_141 : i32
        %dma_start3A_143 = tpu.memref_slice %arg7[%mul3A_142] : memref<10000xi32, #tpu.memory_space<vmem>> -> memref<64xi32, #tpu.memory_space<vmem>>
        %dma_start3A_144 = arith.constant 0 : i32
        %dma_start3A_145 = arith.constant 0 : i32
        %dma_start3A_146 = tpu.memref_slice %arg2[%dma_start3A_144, %dma_start3A_145] : memref<10000x128xf32, #tpu.memory_space<hbm>> -> memref<10000x128xf32, #tpu.memory_space<hbm>>
        tpu.enqueue_indirect_dma source(%dma_start3A_146 : memref<10000x128xf32, #tpu.memory_space<hbm>>) target(%arg11 : memref<64x128xf32, #tpu.memory_space<vmem>>) offsets(%dma_start3A_143 : memref<64xi32, #tpu.memory_space<vmem>>) semaphore(%arg16 : memref<!tpu.dma_semaphore, #tpu.memory_space<semaphore_mem>>)
      } else {
      }
      "tpu.region"() ({
        %run_scoped3A = tpu.sem_alloc : memref<!tpu.dma_semaphore, #tpu.memory_space<semaphore_mem>>
        %dma_start3A_139 = arith.constant 0 : i32
        %dma_start3A_140 = arith.constant 0 : i32
        %dma_start3A_141 = tpu.memref_slice %arg15[%dma_start3A_139, %dma_start3A_140] : memref<10000x128xf32, #tpu.memory_space<vmem_shared>> -> memref<10000x128xf32, #tpu.memory_space<vmem_shared>>
        tpu.enqueue_indirect_dma source(%arg12 : memref<64x128xf32, #tpu.memory_space<vmem>>) target(%dma_start3A_141 : memref<10000x128xf32, #tpu.memory_space<vmem_shared>>) offsets(%arg10 : memref<64xi32, #tpu.memory_space<vmem>>) semaphore(%run_scoped3A : memref<!tpu.dma_semaphore, #tpu.memory_space<semaphore_mem>>) {add = true}
        %dma_wait3A_142 = arith.constant 0 : i32
        %dma_wait3A_143 = arith.constant 0 : i32
        %dma_wait3A_144 = tpu.memref_slice %arg15[%dma_wait3A_142, %dma_wait3A_143] : memref<10000x128xf32, #tpu.memory_space<vmem_shared>> -> memref<10000x128xf32, #tpu.memory_space<vmem_shared>>
        tpu.wait_indirect_dma semaphore(%run_scoped3A : memref<!tpu.dma_semaphore, #tpu.memory_space<semaphore_mem>>) src(%arg12 : memref<64x128xf32, #tpu.memory_space<vmem>>) dst(%dma_wait3A_144 : memref<10000x128xf32, #tpu.memory_space<vmem_shared>>)
        tpu.yield
      }) : () -> ()
    }
    %scan3A_43 = arith.constant 78 : i32
    %get3A_44 = arith.constant 9984 : index
    %get3A_45 = tpu.vector_load %arg8[%get3A_44] {strides = array<i32>} : memref<10000xi32, #tpu.memory_space<vmem>>, vector<16xi32>,
    %get3A_46 = vector.shape_cast %get3A_45 : vector<16xi32> to vector<16xi32>
    %swap3A_47 = arith.constant 0 : index
    %swap3A_48 = tpu.vector_load %arg13[%swap3A_47] {strides = array<i32>} : memref<16xi32, #tpu.memory_space<vmem>>, vector<16xi32>,
    %swap3A_49 = vector.shape_cast %swap3A_48 : vector<16xi32> to vector<16xi32>
    %swap3A_50 = vector.shape_cast %get3A_46 : vector<16xi32> to vector<16xi32>
    tpu.vector_store %arg13[%swap3A_47], %swap3A_50 {strides = array<i32>} : memref<16xi32, #tpu.memory_space<vmem>>, vector<16xi32>,
    %dma_start3A_51 = arith.constant 9984 : i32
    %dma_start3A_52 = tpu.memref_slice %arg7[%dma_start3A_51] : memref<10000xi32, #tpu.memory_space<vmem>> -> memref<16xi32, #tpu.memory_space<vmem>>
    %dma_start3A_53 = arith.constant 0 : i32
    %dma_start3A_54 = arith.constant 0 : i32
    %dma_start3A_55 = tpu.memref_slice %arg2[%dma_start3A_53, %dma_start3A_54] : memref<10000x128xf32, #tpu.memory_space<hbm>> -> memref<10000x128xf32, #tpu.memory_space<hbm>>
    tpu.enqueue_indirect_dma source(%dma_start3A_55 : memref<10000x128xf32, #tpu.memory_space<hbm>>) target(%arg14 : memref<16x128xf32, #tpu.memory_space<vmem>>) offsets(%dma_start3A_52 : memref<16xi32, #tpu.memory_space<vmem>>) semaphore(%arg16 : memref<!tpu.dma_semaphore, #tpu.memory_space<semaphore_mem>>)
    %dma_wait3A = arith.constant 9984 : i32
    %dma_wait3A_56 = tpu.memref_slice %arg7[%dma_wait3A] : memref<10000xi32, #tpu.memory_space<vmem>> -> memref<16xi32, #tpu.memory_space<vmem>>
    %dma_wait3A_57 = arith.constant 0 : i32
    %dma_wait3A_58 = arith.constant 0 : i32
    %dma_wait3A_59 = tpu.memref_slice %arg2[%dma_wait3A_57, %dma_wait3A_58] : memref<10000x128xf32, #tpu.memory_space<hbm>> -> memref<10000x128xf32, #tpu.memory_space<hbm>>
    tpu.wait_indirect_dma semaphore(%arg16 : memref<!tpu.dma_semaphore, #tpu.memory_space<semaphore_mem>>) src(%dma_wait3A_59 : memref<10000x128xf32, #tpu.memory_space<hbm>>) dst(%arg14 : memref<16x128xf32, #tpu.memory_space<vmem>>)
    "tpu.region"() ({
      %run_scoped3A = tpu.sem_alloc : memref<!tpu.dma_semaphore, #tpu.memory_space<semaphore_mem>>
      %dma_start3A_73 = arith.constant 0 : i32
      %dma_start3A_74 = arith.constant 0 : i32
      %dma_start3A_75 = tpu.memref_slice %arg15[%dma_start3A_73, %dma_start3A_74] : memref<10000x128xf32, #tpu.memory_space<vmem_shared>> -> memref<10000x128xf32, #tpu.memory_space<vmem_shared>>
      tpu.enqueue_indirect_dma source(%arg14 : memref<16x128xf32, #tpu.memory_space<vmem>>) target(%dma_start3A_75 : memref<10000x128xf32, #tpu.memory_space<vmem_shared>>) offsets(%arg13 : memref<16xi32, #tpu.memory_space<vmem>>) semaphore(%run_scoped3A : memref<!tpu.dma_semaphore, #tpu.memory_space<semaphore_mem>>) {add = true}
      %dma_wait3A_76 = arith.constant 0 : i32
      %dma_wait3A_77 = arith.constant 0 : i32
      %dma_wait3A_78 = tpu.memref_slice %arg15[%dma_wait3A_76, %dma_wait3A_77] : memref<10000x128xf32, #tpu.memory_space<vmem_shared>> -> memref<10000x128xf32, #tpu.memory_space<vmem_shared>>
      tpu.wait_indirect_dma semaphore(%run_scoped3A : memref<!tpu.dma_semaphore, #tpu.memory_space<semaphore_mem>>) src(%arg14 : memref<16x128xf32, #tpu.memory_space<vmem>>) dst(%dma_wait3A_78 : memref<10000x128xf32, #tpu.memory_space<vmem_shared>>)
      tpu.yield
    }) : () -> ()
    %barrier3A_60 = arith.constant 0 : index
    tpu.barrier barrier_id(%barrier3A_60)
    %mul3A_61 = arith.constant 624 : i32
    %mul3A_62 = arith.muli %arg1, %mul3A_61 : i32
    %mul3A_63 = arith.constant 10000 : i32
    %mul3A_64 = arith.muli %arg0, %mul3A_63 : i32
    %mul3A_65 = arith.constant 624 : i32
    %mul3A_66 = arith.muli %arg1, %mul3A_65 : i32
    %add3A_67 = arith.addi %mul3A_64, %mul3A_66 : i32
    "tpu.region"() ({
      %run_scoped3A = tpu.sem_alloc : memref<!tpu.dma_semaphore, #tpu.memory_space<semaphore_mem>>
      %dma_start3A_73 = arith.constant 0 : i32
      %dma_start3A_74 = tpu.memref_slice %arg6[%add3A_67, %dma_start3A_73] : memref<20000x128xf32, #tpu.memory_space<hbm>> -> memref<624x128xf32, #tpu.memory_space<hbm>>
      %dma_start3A_75 = arith.constant 0 : i32
      %dma_start3A_76 = tpu.memref_slice %arg15[%mul3A_62, %dma_start3A_75] : memref<10000x128xf32, #tpu.memory_space<vmem_shared>> -> memref<624x128xf32, #tpu.memory_space<vmem_shared>>
      tpu.enqueue_dma source(%dma_start3A_76 : memref<624x128xf32, #tpu.memory_space<vmem_shared>>) target(%dma_start3A_74 : memref<624x128xf32, #tpu.memory_space<hbm>>) target_semaphore(%run_scoped3A : memref<!tpu.dma_semaphore, #tpu.memory_space<semaphore_mem>>)
      %dma_wait3A_77 = arith.constant 0 : i32
      %dma_wait3A_78 = tpu.memref_slice %arg6[%add3A_67, %dma_wait3A_77] : memref<20000x128xf32, #tpu.memory_space<hbm>> -> memref<624x128xf32, #tpu.memory_space<hbm>>
      %dma_wait3A_79 = arith.constant 0 : i32
      %dma_wait3A_80 = tpu.memref_slice %arg15[%mul3A_62, %dma_wait3A_79] : memref<10000x128xf32, #tpu.memory_space<vmem_shared>> -> memref<624x128xf32, #tpu.memory_space<vmem_shared>>
      tpu.wait_dma2 semaphore(%run_scoped3A : memref<!tpu.dma_semaphore, #tpu.memory_space<semaphore_mem>>) src(%dma_wait3A_80 : memref<624x128xf32, #tpu.memory_space<vmem_shared>>) dst(%dma_wait3A_78 : memref<624x128xf32, #tpu.memory_space<hbm>>)
      tpu.yield
    }) : () -> ()
    %eq3A_68 = arith.constant 0 : i32
    %eq3A_69 = arith.cmpi eq, %arg1, %eq3A_68 : i32
    %convert_element_type3A_70 = arith.extui %eq3A_69 : i1 to i32
    %cond3A_71 = arith.constant 0 : i32
    %cond3A_72 = arith.cmpi ne, %convert_element_type3A_70, %cond3A_71 : i32
    scf.if %cond3A_72 {
      %mul3A_73 = arith.constant 10000 : i32
      %mul3A_74 = arith.muli %arg0, %mul3A_73 : i32
      %add3A_75 = arith.constant 9984 : i32
      %add3A_76 = arith.addi %mul3A_74, %add3A_75 : i32
      "tpu.region"() ({
        %run_scoped3A = tpu.sem_alloc : memref<!tpu.dma_semaphore, #tpu.memory_space<semaphore_mem>>
        %dma_start3A_77 = arith.constant 0 : i32
        %dma_start3A_78 = tpu.memref_slice %arg6[%add3A_76, %dma_start3A_77] : memref<20000x128xf32, #tpu.memory_space<hbm>> -> memref<16x128xf32, #tpu.memory_space<hbm>>
        %dma_start3A_79 = arith.constant 9984 : i32
        %dma_start3A_80 = arith.constant 0 : i32
        %dma_start3A_81 = tpu.memref_slice %arg15[%dma_start3A_79, %dma_start3A_80] : memref<10000x128xf32, #tpu.memory_space<vmem_shared>> -> memref<16x128xf32, #tpu.memory_space<vmem_shared>>
        tpu.enqueue_dma source(%dma_start3A_81 : memref<16x128xf32, #tpu.memory_space<vmem_shared>>) target(%dma_start3A_78 : memref<16x128xf32, #tpu.memory_space<hbm>>) target_semaphore(%run_scoped3A : memref<!tpu.dma_semaphore, #tpu.memory_space<semaphore_mem>>)
        %dma_wait3A_82 = arith.constant 0 : i32
        %dma_wait3A_83 = tpu.memref_slice %arg6[%add3A_76, %dma_wait3A_82] : memref<20000x128xf32, #tpu.memory_space<hbm>> -> memref<16x128xf32, #tpu.memory_space<hbm>>
        %dma_wait3A_84 = arith.constant 9984 : i32
        %dma_wait3A_85 = arith.constant 0 : i32
        %dma_wait3A_86 = tpu.memref_slice %arg15[%dma_wait3A_84, %dma_wait3A_85] : memref<10000x128xf32, #tpu.memory_space<vmem_shared>> -> memref<16x128xf32, #tpu.memory_space<vmem_shared>>
        tpu.wait_dma2 semaphore(%run_scoped3A : memref<!tpu.dma_semaphore, #tpu.memory_space<semaphore_mem>>) src(%dma_wait3A_86 : memref<16x128xf32, #tpu.memory_space<vmem_shared>>) dst(%dma_wait3A_83 : memref<16x128xf32, #tpu.memory_space<hbm>>)
        tpu.yield
      }) : () -> ()
    } else {
    }
    return
  }
}

#map = affine_map<(d0, d1) -> (0)>
module attributes {stable_mosaic.version = 14 : i64} {
  func.func @_deg_body(%arg0: i32, %arg1: i32, %arg2: memref<320000xi32, #tpu.memory_space<hbm>>, %arg3: memref<10000xf32, #tpu.memory_space<hbm>>, %arg4: memref<320000xf32, #tpu.memory_space<hbm>>, %arg5: memref<10000xi32, #tpu.memory_space<vmem>>, %arg6: memref<10000xf32, #tpu.memory_space<vmem>>) attributes {dimension_semantics = [#tpu.dimension_semantics<core_parallel>, #tpu.dimension_semantics<subcore_parallel>], iteration_bounds = array<i64: 2, 16>, scalar_prefetch = 0 : i64, scratch_operands = 2 : i64, tpu.core_type = #tpu.core_type<sc_vector_subcore>, window_params = [{transform_indices = #map}, {transform_indices = #map}, {transform_indices = #map}]} {
    %mul3A = arith.constant 2 : i32
    %mul3A_0 = arith.muli %arg1, %mul3A : i32
    %add3A = arith.addi %mul3A_0, %arg0 : i32
    "tpu.region"() ({
      %run_scoped3A = tpu.sem_alloc : memref<!tpu.dma_semaphore, #tpu.memory_space<semaphore_mem>>
      tpu.enqueue_dma source(%arg3 : memref<10000xf32, #tpu.memory_space<hbm>>) target(%arg6 : memref<10000xf32, #tpu.memory_space<vmem>>) target_semaphore(%run_scoped3A : memref<!tpu.dma_semaphore, #tpu.memory_space<semaphore_mem>>)
      tpu.wait_dma2 semaphore(%run_scoped3A : memref<!tpu.dma_semaphore, #tpu.memory_space<semaphore_mem>>) src(%arg3 : memref<10000xf32, #tpu.memory_space<hbm>>) dst(%arg6 : memref<10000xf32, #tpu.memory_space<vmem>>)
      tpu.yield
    }) : () -> ()
    %mul3A_1 = arith.constant 10000 : i32
    %mul3A_2 = arith.muli %add3A, %mul3A_1 : i32
    "tpu.region"() ({
      %run_scoped3A = tpu.sem_alloc : memref<!tpu.dma_semaphore, #tpu.memory_space<semaphore_mem>>
      %dma_start3A = tpu.memref_slice %arg2[%mul3A_2] : memref<320000xi32, #tpu.memory_space<hbm>> -> memref<10000xi32, #tpu.memory_space<hbm>>
      %dma_start3A_11 = tpu.memref_slice %arg2[%mul3A_2] : memref<320000xi32, #tpu.memory_space<hbm>> -> memref<10000xi32, #tpu.memory_space<hbm>>
      tpu.enqueue_dma source(%dma_start3A_11 : memref<10000xi32, #tpu.memory_space<hbm>>) target(%arg5 : memref<10000xi32, #tpu.memory_space<vmem>>) target_semaphore(%run_scoped3A : memref<!tpu.dma_semaphore, #tpu.memory_space<semaphore_mem>>)
      %dma_wait3A = tpu.memref_slice %arg2[%mul3A_2] : memref<320000xi32, #tpu.memory_space<hbm>> -> memref<10000xi32, #tpu.memory_space<hbm>>
      %dma_wait3A_12 = tpu.memref_slice %arg2[%mul3A_2] : memref<320000xi32, #tpu.memory_space<hbm>> -> memref<10000xi32, #tpu.memory_space<hbm>>
      tpu.wait_dma2 semaphore(%run_scoped3A : memref<!tpu.dma_semaphore, #tpu.memory_space<semaphore_mem>>) src(%dma_wait3A_12 : memref<10000xi32, #tpu.memory_space<hbm>>) dst(%arg5 : memref<10000xi32, #tpu.memory_space<vmem>>)
      tpu.yield
    }) : () -> ()
    %broadcast_in_dim3A = arith.constant 1.000000e+00 : f32
    %broadcast_in_dim3A_3 = vector.broadcast %broadcast_in_dim3A : f32 to vector<16xf32>
    %scan3A = arith.constant 0 : i32
    %scan3A_4 = arith.constant 0 : i32
    %scan3A_5 = arith.constant 625 : i32
    %scan3A_6 = arith.addi %scan3A_4, %scan3A_5 : i32
    %scan3A_7 = arith.constant 1 : i32
    scf.for %scan3A_11 = %scan3A_4 to %scan3A_6 step %scan3A_7  : i32 {
      %mul3A_12 = arith.constant 16 : i32
      %mul3A_13 = arith.muli %scan3A_11, %mul3A_12 : i32
      %get3A = arith.index_cast %mul3A_13 : i32 to index
      %get3A_14 = tpu.vector_load %arg5[%get3A] {strides = array<i32>} : memref<10000xi32, #tpu.memory_space<vmem>>, vector<16xi32>,
      tpu.vector_store_idx %arg6[%get3A_14], %broadcast_in_dim3A_3 {add = true} : memref<10000xf32, #tpu.memory_space<vmem>>[vector<16xi32>], vector<16xf32>,
    }
    %scan3A_8 = arith.constant 625 : i32
    %mul3A_9 = arith.constant 10000 : i32
    %mul3A_10 = arith.muli %add3A, %mul3A_9 : i32
    "tpu.region"() ({
      %run_scoped3A = tpu.sem_alloc : memref<!tpu.dma_semaphore, #tpu.memory_space<semaphore_mem>>
      %dma_start3A = tpu.memref_slice %arg4[%mul3A_10] : memref<320000xf32, #tpu.memory_space<hbm>> -> memref<10000xf32, #tpu.memory_space<hbm>>
      %dma_start3A_11 = tpu.memref_slice %arg4[%mul3A_10] : memref<320000xf32, #tpu.memory_space<hbm>> -> memref<10000xf32, #tpu.memory_space<hbm>>
      tpu.enqueue_dma source(%arg6 : memref<10000xf32, #tpu.memory_space<vmem>>) target(%dma_start3A_11 : memref<10000xf32, #tpu.memory_space<hbm>>) target_semaphore(%run_scoped3A : memref<!tpu.dma_semaphore, #tpu.memory_space<semaphore_mem>>)
      %dma_wait3A = tpu.memref_slice %arg4[%mul3A_10] : memref<320000xf32, #tpu.memory_space<hbm>> -> memref<10000xf32, #tpu.memory_space<hbm>>
      %dma_wait3A_12 = tpu.memref_slice %arg4[%mul3A_10] : memref<320000xf32, #tpu.memory_space<hbm>> -> memref<10000xf32, #tpu.memory_space<hbm>>
      tpu.wait_dma2 semaphore(%run_scoped3A : memref<!tpu.dma_semaphore, #tpu.memory_space<semaphore_mem>>) src(%arg6 : memref<10000xf32, #tpu.memory_space<vmem>>) dst(%dma_wait3A_12 : memref<10000xf32, #tpu.memory_space<hbm>>)
      tpu.yield
    }) : () -> ()
    return
  }
}

module attributes {stable_mosaic.version = 14 : i64} {
  func.func @_mm_body(%arg0: memref<32x10000xf32, #tpu.memory_space<vmem>>, %arg1: memref<10000x128xf32, #tpu.memory_space<vmem>>, %arg2: memref<128x128xf32, #tpu.memory_space<vmem>>, %arg3: memref<10000x128xf32, #tpu.memory_space<vmem>>) attributes {dimension_semantics = [], scalar_prefetch = 0 : i64, scratch_operands = 0 : i64, tpu.core_type = #tpu.core_type<tc>} {
    %get3A = arith.constant 0 : index
    %get3A_0 = arith.constant 0 : index
    %get3A_1 = vector.load %arg0[%get3A, %get3A_0] : memref<32x10000xf32, #tpu.memory_space<vmem>>, vector<32x10000xf32>
    %reduce_sum3A = arith.constant dense<0.000000e+00> : vector<10000xf32>
    %reduce_sum3A_2 = vector.multi_reduction <add>, %get3A_1, %reduce_sum3A [0] : vector<32x10000xf32> to vector<10000xf32>
    %add3A = arith.constant 1.000000e+00 : f32
    %add3A_3 = vector.broadcast %add3A : f32 to vector<10000xf32>
    %add3A_4 = arith.addf %reduce_sum3A_2, %add3A_3 : vector<10000xf32>
    %rsqrt3A = math.rsqrt %add3A_4 : vector<10000xf32>
    %get3A_5 = arith.constant 0 : index
    %get3A_6 = arith.constant 0 : index
    %get3A_7 = vector.load %arg1[%get3A_5, %get3A_6] : memref<10000x128xf32, #tpu.memory_space<vmem>>, vector<10000x128xf32>
    %broadcast_in_dim3A = vector.shape_cast %rsqrt3A : vector<10000xf32> to vector<10000x1xf32>
    %mul3A = vector.broadcast %broadcast_in_dim3A : vector<10000x1xf32> to vector<10000x128xf32>
    %mul3A_8 = arith.mulf %get3A_7, %mul3A : vector<10000x128xf32>
    %get3A_9 = arith.constant 0 : index
    %get3A_10 = arith.constant 0 : index
    %get3A_11 = vector.load %arg2[%get3A_9, %get3A_10] : memref<128x128xf32, #tpu.memory_space<vmem>>, vector<128x128xf32>
    %dot_general3A = arith.constant dense<0.000000e+00> : vector<10000x128xf32>
    %dot_general3A_12 = tpu.matmul %mul3A_8, %get3A_11, %dot_general3A {dimension_numbers = #tpu.dot_dimension_numbers<[1], [1], [0], [0], [0, 0, 1, 0], [], []>, transpose_lhs_hint = false} : vector<10000x128xf32>, vector<128x128xf32>, vector<10000x128xf32> -> vector<10000x128xf32>
    %swap3A = arith.constant 0 : index
    %swap3A_13 = arith.constant 0 : index
    %swap3A_14 = vector.load %arg3[%swap3A, %swap3A_13] : memref<10000x128xf32, #tpu.memory_space<vmem>>, vector<10000x128xf32>
    tpu.vector_store %arg3[%swap3A, %swap3A_13], %dot_general3A_12 {strides = array<i32>} : memref<10000x128xf32, #tpu.memory_space<vmem>>, vector<10000x128xf32>,
    return
  }
}

module attributes {stable_mosaic.version = 14 : i64} {
  func.func @_bn_body(%arg0: memref<32x10000xf32, #tpu.memory_space<vmem>>, %arg1: memref<20000x128xf32, #tpu.memory_space<vmem>>, %arg2: memref<10000x128xf32, #tpu.memory_space<vmem>>, %arg3: memref<1x128xf32, #tpu.memory_space<vmem>>, %arg4: memref<1x128xf32, #tpu.memory_space<vmem>>, %arg5: memref<10000x128xf32, #tpu.memory_space<vmem>>) attributes {dimension_semantics = [], scalar_prefetch = 0 : i64, scratch_operands = 0 : i64, tpu.core_type = #tpu.core_type<tc>} {
    %get3A = arith.constant 0 : index
    %get3A_0 = arith.constant 0 : index
    %get3A_1 = vector.load %arg0[%get3A, %get3A_0] : memref<32x10000xf32, #tpu.memory_space<vmem>>, vector<32x10000xf32>
    %reduce_sum3A = arith.constant dense<0.000000e+00> : vector<10000xf32>
    %reduce_sum3A_2 = vector.multi_reduction <add>, %get3A_1, %reduce_sum3A [0] : vector<32x10000xf32> to vector<10000xf32>
    %add3A = arith.constant 1.000000e+00 : f32
    %add3A_3 = vector.broadcast %add3A : f32 to vector<10000xf32>
    %add3A_4 = arith.addf %reduce_sum3A_2, %add3A_3 : vector<10000xf32>
    %rsqrt3A = math.rsqrt %add3A_4 : vector<10000xf32>
    %get3A_5 = arith.constant 0 : index
    %get3A_6 = arith.constant 0 : index
    %get3A_7 = vector.load %arg1[%get3A_5, %get3A_6] : memref<20000x128xf32, #tpu.memory_space<vmem>>, vector<10000x128xf32>
    %get3A_8 = arith.constant 10000 : index
    %get3A_9 = arith.constant 0 : index
    %get3A_10 = vector.load %arg1[%get3A_8, %get3A_9] : memref<20000x128xf32, #tpu.memory_space<vmem>>, vector<10000x128xf32>
    %add3A_11 = arith.addf %get3A_7, %get3A_10 : vector<10000x128xf32>
    %get3A_12 = arith.constant 0 : index
    %get3A_13 = arith.constant 0 : index
    %get3A_14 = vector.load %arg2[%get3A_12, %get3A_13] : memref<10000x128xf32, #tpu.memory_space<vmem>>, vector<10000x128xf32>
    %add3A_15 = arith.addf %add3A_11, %get3A_14 : vector<10000x128xf32>
    %broadcast_in_dim3A = vector.shape_cast %rsqrt3A : vector<10000xf32> to vector<10000x1xf32>
    %mul3A = vector.broadcast %broadcast_in_dim3A : vector<10000x1xf32> to vector<10000x128xf32>
    %mul3A_16 = arith.mulf %add3A_15, %mul3A : vector<10000x128xf32>
    %max3A = arith.constant 0.000000e+00 : f32
    %max3A_17 = vector.broadcast %max3A : f32 to vector<10000x128xf32>
    %max3A_18 = arith.maximumf %mul3A_16, %max3A_17 : vector<10000x128xf32>
    %reduce_sum3A_19 = arith.constant dense<0.000000e+00> : vector<128xf32>
    %reduce_sum3A_20 = vector.multi_reduction <add>, %max3A_18, %reduce_sum3A_19 [0] : vector<10000x128xf32> to vector<128xf32>
    %broadcast_in_dim3A_21 = vector.shape_cast %reduce_sum3A_20 : vector<128xf32> to vector<1x128xf32>
    %div3A = arith.constant 1.000000e+04 : f32
    %div3A_22 = vector.broadcast %div3A : f32 to vector<1x128xf32>
    %div3A_23 = arith.divf %broadcast_in_dim3A_21, %div3A_22 : vector<1x128xf32>
    %mul3A_24 = arith.mulf %max3A_18, %max3A_18 : vector<10000x128xf32>
    %reduce_sum3A_25 = arith.constant dense<0.000000e+00> : vector<128xf32>
    %reduce_sum3A_26 = vector.multi_reduction <add>, %mul3A_24, %reduce_sum3A_25 [0] : vector<10000x128xf32> to vector<128xf32>
    %broadcast_in_dim3A_27 = vector.shape_cast %reduce_sum3A_26 : vector<128xf32> to vector<1x128xf32>
    %div3A_28 = arith.constant 1.000000e+04 : f32
    %div3A_29 = vector.broadcast %div3A_28 : f32 to vector<1x128xf32>
    %div3A_30 = arith.divf %broadcast_in_dim3A_27, %div3A_29 : vector<1x128xf32>
    %mul3A_31 = arith.mulf %div3A_23, %div3A_23 : vector<1x128xf32>
    %sub3A = arith.subf %div3A_30, %mul3A_31 : vector<1x128xf32>
    %get3A_32 = arith.constant 0 : index
    %get3A_33 = arith.constant 0 : index
    %get3A_34 = vector.load %arg3[%get3A_32, %get3A_33] : memref<1x128xf32, #tpu.memory_space<vmem>>, vector<1x128xf32>
    %add3A_35 = arith.constant 9.99999974E-6 : f32
    %add3A_36 = vector.broadcast %add3A_35 : f32 to vector<1x128xf32>
    %add3A_37 = arith.addf %sub3A, %add3A_36 : vector<1x128xf32>
    %rsqrt3A_38 = math.rsqrt %add3A_37 : vector<1x128xf32>
    %mul3A_39 = arith.mulf %get3A_34, %rsqrt3A_38 : vector<1x128xf32>
    %sub3A_40 = vector.broadcast %div3A_23 : vector<1x128xf32> to vector<10000x128xf32>
    %sub3A_41 = arith.subf %max3A_18, %sub3A_40 : vector<10000x128xf32>
    %mul3A_42 = vector.broadcast %mul3A_39 : vector<1x128xf32> to vector<10000x128xf32>
    %mul3A_43 = arith.mulf %sub3A_41, %mul3A_42 : vector<10000x128xf32>
    %get3A_44 = arith.constant 0 : index
    %get3A_45 = arith.constant 0 : index
    %get3A_46 = vector.load %arg4[%get3A_44, %get3A_45] : memref<1x128xf32, #tpu.memory_space<vmem>>, vector<1x128xf32>
    %add3A_47 = vector.broadcast %get3A_46 : vector<1x128xf32> to vector<10000x128xf32>
    %add3A_48 = arith.addf %mul3A_43, %add3A_47 : vector<10000x128xf32>
    %swap3A = arith.constant 0 : index
    %swap3A_49 = arith.constant 0 : index
    %swap3A_50 = vector.load %arg5[%swap3A, %swap3A_49] : memref<10000x128xf32, #tpu.memory_space<vmem>>, vector<10000x128xf32>
    tpu.vector_store %arg5[%swap3A, %swap3A_49], %add3A_48 {strides = array<i32>} : memref<10000x128xf32, #tpu.memory_space<vmem>>, vector<10000x128xf32>,
    return
  }
}

</mosaic_0001>

<sc_bundles>
// kernel: kernel.6.cloned.1.call-start
scs
__scs_entry_jumppad:
0x0: {  	(pc) =	sbr.rel $0x88, $3  }
0x1: {  	(tag) =	ssettag $0x0;
	lr =	simm.s32 $0x1  }
0x2: {  	[smem:$0x3F9C] =	sst lr;
	_ =	strace $0xD0000000  }
0x3: {  	_ = 	snop  }
0x4: {  	_ = 	snop  }
0x5: {  	_ = 	snop  }
0x6: {  	_ = 	snop  }
0x7: {  	_ = 	snop  }
__scs_overlays_trampoline_lowered:
0x8: {  	[smem:$0x3FAB] =	sst s0  }
0x9: {  	[smem:$0x3FAC] =	sst s1  }
0xa: {  	[smem:$0x3FAD] =	sst s2  }
0xb: {  	[smem:$0x3FAE] =	sst s3  }
0xc: {  	[smem:$0x3FAF] =	sst s4  }
0xd: {  	[smem:$0x3FB0] =	sst s5  }
0xe: {  	[smem:$0x3FB1] =	sst s6  }
0xf: {  	[smem:$0x3FB2] =	sst s7  }
0x10: {  	[smem:$0x3FB3] =	sst s8  }
0x11: {  	[smem:$0x3FB4] =	sst s9;
	s0 =	simm.s32 @!p0 $0x0  }
0x12: {  	s1 =	sld [smem:$0x3F9A];
	s0 =	simm.s32 @p0 $0x1  }
0x13: {  	[smem:$0x3FB5] =	sst s0;
	s0 =	simm.s32 @!p1 $0x0  }
0x14: {  	s2 =	sld [smem:$0x3F99];
	s0 =	simm.s32 @p1 $0x1  }
0x15: {  	[smem:$0x3FB6] =	sst s0;
	s0 =	simm.s32 @!p2 $0x0  }
0x16: {  	s3 =	sld [smem:$0x3FDB];
	s0 =	simm.s32 @p2 $0x1  }
0x17: {  	s4 =	simm.s32 $0x1BF5;
	[smem:$0x3FB8] =	sst s0  }
0x18: {  	s0 =	sld [smem:$0x3F9B];
	_ =	swait.ge [sflag:s4], $0x0  }
0x19: {  	s7 =	sld [smem:$0x3F9C]  }
0x1a: {  	s8 =	sadd.s32 $0xFFFFE003, lr  }
0x1b: {  	s9 =	sadd.s32 $0xFFFFFEF7, lr;
	s5 =	simm.s32 $0xFFFFFFFF;
	p2 =	slt.u32 s8, $0xFFFFF086  }
0x1c: {  	p1 =	slt.u32 s9, $0xF7A;
	s5 =	simm.s32 @!p2 $0x0  }
0x1d: {  	s5 =	simm.s32 @p1 $0x1;
	p0 =	seq.s32 s7, s2  }
0x1e: {  	s7 =	smul.u32 @!p0 $0xF7A, s2;
	p2 =	seq.s32 @!p0 s5, $0x0  }
0x1f: {  	s9 =	smul.u32 $0xF7A, s1;
	s8 =	simm.s32 @!p0 $0x1BF5;
	p2 =	por !p2, p0  }
0x20: {  	[sflag:s8] =	ssyncset.s32 @!p0 $0xFFFFF086;
	s6 =	sadd.s32 @!p0 s3, s7;
	s7 =	simm.s32 @!p0 $0x108  }
0x21: {  	s3 =	sadd.s32 s3, s9;
	s6 =	sadd.s32 @!p0 $0x88, s6;
	s7 =	simm.s32 @p2 $0x1082  }
0x22: {  	[simem:s7], [sflag:s8] =	dma.local @!p0 [hbm:s6], $0xF7A  }
0x23: {  	s9 =	sor.u32 $0xD0000000, s2;
	s6 =	simm.s32 $0x108;
	_ =	swait.ge @!p0 [sflag:s8], $0x0  }
0x24: {  	s3 =	sadd.s32 $0x88, s3;
	s6 =	simm.s32 @!p1 $0x1082;
	[sflag:s4] =	ssyncset.s32 $0xFFFFF086  }
0x25: {  	[simem:s6], [sflag:s4] =	dma.local [hbm:s3], $0xF7A  }
0x26: {  	[smem:$0x3F9C] =	sst s1;
	(tag) =	ssettag s2;
	_ =	strace s9  }
0x27: {  	s1 =	sld [smem:$0x3FAC]  }
0x28: {  	s2 =	sld [smem:$0x3FAD]  }
0x29: {  	s4 =	sld [smem:$0x3FAF]  }
0x2a: {  	p0 =	seq.s32 s5, $0x0;
	s5 =	sld [smem:$0x3FB0]  }
0x2b: {  	s6 =	sld [smem:$0x3FB1]  }
0x2c: {  	s7 =	sld [smem:$0x3FB2]  }
0x2d: {  	s3 =	simm.s32 $0x108;
	s8 =	sld [smem:$0x3FB3]  }
0x2e: {  	s3 =	simm.s32 @!p0 $0x1082;
	s9 =	sld [smem:$0x3FB4]  }
0x2f: {  	lr =	sadd.s32 s0, s3;
	s0 =	sld [smem:$0x3FAB]  }
0x30: {  	s3 =	sld [smem:$0x3FAE]  }
0x31: {  	[smem:$0x3FB7] =	sst s10  }
0x32: {  	s10 =	sld [smem:$0x3FB5];
	_ =	sdelay $0x3  }
0x33: {  	p0 =	seq.s32 s10, $0x1;
	s10 =	sld [smem:$0x3FB7];
	_ =	sdelay $0x3  }
0x34: {  	[smem:$0x3FB7] =	sst s10  }
0x35: {  	s10 =	sld [smem:$0x3FB6];
	_ =	sdelay $0x3  }
0x36: {  	p1 =	seq.s32 s10, $0x1;
	s10 =	sld [smem:$0x3FB7];
	_ =	sdelay $0x3  }
0x37: {  	[smem:$0x3FB7] =	sst s10  }
0x38: {  	s10 =	sld [smem:$0x3FB8]  }
0x39: {  	_ = 	snop;
	(pc) =	sbr.ind lr, $3  }
0x3a: {  	_ = 	snop  }
0x3b: {  	_ = 	snop  }
0x3c: {  	p2 =	seq.s32 s10, $0x1;
	s10 =	sld [smem:$0x3FB7]  }
0x3d: {  	_ =	shalt  }
0x3e: {  	_ =	shalt  }
0x3f: {  	_ =	shalt  }
0x40: {  	_ =	shalt  }
0x41: {  	_ =	shalt  }
0x42: {  	_ =	shalt  }
0x43: {  	_ =	shalt  }
0x44: {  	_ =	shalt  }
0x45: {  	_ =	shalt  }
0x46: {  	_ =	shalt  }
0x47: {  	_ =	shalt  }
0x48: {  	_ =	shalt  }
0x49: {  	_ =	shalt  }
0x4a: {  	_ =	shalt  }
0x4b: {  	_ =	shalt  }
0x4c: {  	_ =	shalt  }
0x4d: {  	_ =	shalt  }
0x4e: {  	_ =	shalt  }
0x4f: {  	_ =	shalt  }
0x50: {  	_ =	shalt  }
0x51: {  	_ =	shalt  }
0x52: {  	_ =	shalt  }
0x53: {  	_ =	shalt  }
0x54: {  	_ =	shalt  }
0x55: {  	_ =	shalt  }
0x56: {  	_ =	shalt  }
0x57: {  	_ =	shalt  }
0x58: {  	_ =	shalt  }
0x59: {  	_ =	shalt  }
0x5a: {  	_ =	shalt  }
0x5b: {  	_ =	shalt  }
0x5c: {  	_ =	shalt  }
0x5d: {  	_ =	shalt  }
0x5e: {  	_ =	shalt  }
0x5f: {  	_ =	shalt  }
0x60: {  	_ =	shalt  }
0x61: {  	_ =	shalt  }
0x62: {  	_ =	shalt  }
0x63: {  	_ =	shalt  }
0x64: {  	_ =	shalt  }
0x65: {  	_ =	shalt  }
0x66: {  	_ =	shalt  }
0x67: {  	_ =	shalt  }
0x68: {  	_ =	shalt  }
0x69: {  	_ =	shalt  }
0x6a: {  	_ =	shalt  }
0x6b: {  	_ =	shalt  }
0x6c: {  	_ =	shalt  }
0x6d: {  	_ =	shalt  }
0x6e: {  	_ =	shalt  }
0x6f: {  	_ =	shalt  }
0x70: {  	_ =	shalt  }
0x71: {  	_ =	shalt  }
0x72: {  	_ =	shalt  }
0x73: {  	_ =	shalt  }
0x74: {  	_ =	shalt  }
0x75: {  	_ =	shalt  }
0x76: {  	_ =	shalt  }
0x77: {  	_ =	shalt  }
0x78: {  	_ =	shalt  }
0x79: {  	_ =	shalt  }
0x7a: {  	_ =	shalt  }
0x7b: {  	_ =	shalt  }
0x7c: {  	_ =	shalt  }
0x7d: {  	_ =	shalt  }
0x7e: {  	_ =	shalt  }
0x7f: {  	_ =	shalt  }
0x80: {  	_ =	shalt  }
0x81: {  	_ =	shalt  }
0x82: {  	_ =	shalt  }
0x83: {  	_ =	shalt  }
0x84: {  	_ =	shalt  }
0x85: {  	_ =	shalt  }
0x86: {  	_ =	shalt  }
0x87: {  	_ =	shalt  }
.Lfunc_end0:
.L_simem_size_0:
called_computation_lowered:
.L_overlay_start_0:
0x88: {  	s2 =	sld [smem:$0x3FD9]  }
0x89: {  	s3 =	sld [smem:$0x3FFE];
	_ =	sdelay $0x1  }
0x8a: {  	s1 =	srdreg.scid  }
0x8b: {  	s0 =	sand.u32 $0x1, s1  }
0x8c: {  	s17 =	sshll.u32 s0, $0xA;
	s2 =	sadd.s32 s3, s2  }
0x8d: {  	s2 =	sadd.s32 s2, s17  }
0x8e: {  	[smem:$0x3FC3] =	sst s2  }
0x8f: {  	_ = 	snop  }
0x90: {  	s2 =	sld [smem:$0x3FD0];
	(tm) =	ssettm $0x1  }
0x91: {  	s18 =	sld [smem:$0x3FFB];
	_ =	sdelay $0x3  }
0x92: {  	_ =	strace s18  }
0x93: {  	s3 =	sld [smem:$0x3FFC];
	_ =	sdelay $0x3  }
0x94: {  	_ =	strace s3  }
0x95: {  	s3 =	sld [smem:$0x3FFD];
	_ =	sdelay $0x3  }
0x96: {  	_ =	strace s3  }
0x97: {  	_ =	strace $0x8FFFFFFF  }
0x98: {  	s19 =	sld [smem:$0x3FDB];
	_ =	sdelay $0x1  }
0x99: {  	s4 =	simm.s32 $_scs_section_size  }
0x9a: {  	s5 =	simm.s32 $_size__tile_overlayer_lowered;
	s6 =	simm.s32 $_tile_overlayer_lowered  }
0x9b: {  	s22 =	simm.s32 $0x1BFF;
	s21 =	sshll.u32 s6, $0x1;
	s3 =	sadd.s32 s4, s19  }
0x9c: {  	s7 =	simm.s32 $0x0;
	s20 =	sshll.u32 s5, $0x1;
	s5 =	sadd.s32 s21, s3  }
0x9d: {  	[timem:s7], [sflag:s22] =	dma.local [hbm:s5], s20  }
0x9e: {  	_ =	swait.ge [sflag:s22], s20  }
0x9f: {  	s4 =	ssub.s32 $0x0, s20;
	[sflag:s22] =	ssyncset.done $0x0  }
0xa0: {  	[sflag:s22] =	ssyncadd.s32 s4;
	_ =	sdelay $0x1  }
0xa1: {  	s23 =	simm.s32 $0x1B8B  }
0xa2: {  	_ =	swait.ge [sflag:s23], $0x1  }
0xa3: {  	[sflag:s23] =	ssyncset.done $0x0  }
0xa4: {  	s25 =	simm.s32 $0x1B8E;
	s24 =	sld [smem:$0x3FFE];
	[sflag:s23] =	ssyncadd.s32 $0xFFFFFFFF  }
0xa5: {  	s26 =	simm.s32 $execute0_lowered;
	[smem:$0x3FD2] =	sst s25  }
0xa6: {  	s5 =	sshll.u32 s26, $0x1;
	_ =	strace $0x80000046;
	[dreg:$0x1] =	wrdreg $0xFFFFFFFF  }
0xa7: {  	s28 =	simm.s32 $_size_execute0_lowered;
	s3 =	sadd.s32 s3, s5;
	[dreg:$0x0] =	wrdreg $0x0  }
0xa8: {  	s5 =	sshll.u32 s28, $0x1;
	[dreg:$0x2] =	wrdreg s3  }
0xa9: {  	[dreg:$0x3] =	wrdreg s5  }
0xaa: {  	[dreg:$0x4] =	wrdreg $0xC0  }
0xab: {  	_ =	task [dreg:s7], $0x5FFFF  }
0xac: {  	[dreg:$0x1] =	wrdreg $0xFFFFFFFF  }
0xad: {  	[dreg:$0x0] =	wrdreg $0x60  }
0xae: {  	[dreg:$0x2] =	wrdreg s24  }
0xaf: {  	[dreg:$0x3] =	wrdreg s2  }
0xb0: {  	[dreg:$0x4] =	wrdreg $0x9  }
0xb1: {  	_ =	task.clear_ibuf [dreg:s7], $0x5FFFF;
	_ =	strace $0x90000046  }
0xb2: {  	s29 =	simm.s32 $0x9;
	_ =	strace $0x80000048  }
0xb3: {  	_ =	swait.ge [sflag:s29], $0x1  }
0xb4: {  	[sflag:s29] =	ssyncadd.s32 $0xFFFFFFFF  }
0xb5: {  	_ =	strace $0x90000048  }
0xb6: {  	_ =	sfence  }
0xb7: {  	s30 =	sld [smem:$0x0];
	_ =	sdelay $0x2  }
0xb8: {  	s31 =	sshll.u32 s1, $0xD;
	s1 =	sshrl.u32 s1, $0x2  }
0xb9: {  	s3 =	sand.u32 $0x4000, s31;
	s1 =	sadd.s32 s1, s30  }
0xba: {  	s0 =	sor.u32 s3, s0;
	s1 =	sshll.u32 s1, $0x11  }
0xbb: {  	s0 =	sor.u32 s1, s0  }
0xbc: {  	s0 =	sadd.s32 $0x8F2B, s0  }
0xbd: {  	[sflag:s0] =	ssyncadd.remote.s32 $0x1  }
0xbe: {  	_ =	sfence.sel $0xFFFF  }
0xbf: {  	[dreg:$0x0] =	wrdreg $0xFFFFFFFF;
	(pc) =	sbr.abs _section_cstart, $3  }
0xc0: {  	[dreg:$0x1] =	wrdreg $0xFFFFFFFF  }
0xc1: {  	_ =	task.clear_ibuf [dreg:s7], $0x2FFFF;
	_ =	strace $0x9FFFFFFF  }
0xc2: {  	(tm) =	ssettm $0x7FFFFFFF  }
0xc3: {  	_ =	shalt  }
tec
execute0_lowered:
.L_overlay_start_1:
0x0: {  	(tag) =	ssettag $0x1  }
0x1: {  	s1 =	srdreg.scid;
	s0 =	stileid.u32  }
0x2: {  	s3 =	rddreg [dreg:$0x0];
	s4 =	sand.u32 $0x1, s1;
	s6 =	sshll.u32 s0, $0x1  }
0x3: {  	s5 =	rddreg [dreg:$0x1];
	s2 =	simm.s32 $0x0;
	s6 =	sor.u32 s4, s6  }
0x4: {  	s1 =	rddreg [dreg:$0x2];
	s4 =	ssub.s32 $0x2, s4;
	s6 =	smul.u32 $0x4E2, s6  }
0x5: {  	s9 =	simm.s32 $0x0;
	[smem:$0x7FF] =	sst s2;
	s7 =	sshrl.u32 s4, $0x1  }
0x6: {  	_ =	strace $0x80000047;
	s7 =	ssub.s32 s4, s7;
	s8 =	sadd.s32 s6, s3  }
0x7: {  	s3 =	sadd.s32 $0x15000, s3;
	s5 =	sadd.s32 s5, s6;
	s6 =	smax.u32 s7, $0x1  }
0x8: {  	v0 =	vimm.f32 $1.000000000e+00;
	s7 =	simm.s32 $0x2780;
	s4 =	sadd.s32 $0xB200, s8;
	s8 =	simm.s32 $0x1  }
.LBB2_1:
0x9: {  	[tilespmem:s7], [sflag:$0x1] =	stream.linear.gather [hbm4b:s3+s2], $0x2780, $0x38;
	[tilespmem:$0x4F00] =	vst v63  }
0xa: {  	_ =	swait.ge [sflag:s8], $0x2780  }
0xb: {  	[sflag:s8] =	ssyncset.done $0x0  }
0xc: {  	[sflag:s8] =	ssyncadd.s32 $0xFFFFD880  }
0xd: {  	[tilespmem:s2], [sflag:$0x1] =	stream.linear.gather [hbm4b:s4+s2], $0x2710, $0x38;
	[tilespmem:$0x4F00] =	vst v63  }
0xe: {  	_ =	swait.ge [sflag:s8], $0x2710  }
0xf: {  	[sflag:s8] =	ssyncset.done $0x0  }
0x10: {  	s11 =	simm.s32 $0x0;
	s10 =	simm.s32 $0x40;
	[sflag:s8] =	ssyncadd.s32 $0xFFFFD8F0  }
.LBB2_2:
0x11: {  	p0 =	sne.s32 s10, $0x9C00;
	v1 =	vld [tilespmem:s11+$0x0];
	_ =	sdelay $0x3  }
.Ltmp0:
0x12: {  	(pc) =	sbr.rel @p0 .LBB2_2-.Ltmp0, $2  }
0x13: {  	_ =	sdelay $0x2  }
0x14: {  	s11 =	sshra.s32 s10, $0x2;
	s10 =	sadd.s32 $0x40, s10;
	[tilespmem:v1+s7+$0x0] =	vst.idx.add.f32.msk $0xffff, v0  }
0x15: {  	v1 =	vld [tilespmem:s11+$0x0];
	_ =	sdelay $0x5  }
0x16: {  	s9 =	sadd.s32 $0x1, s9  }
0x17: {  	p0 =	sne.s32 s9, s6  }
.Ltmp1:
0x18: {  	[tilespmem:v1+s7+$0x0] =	vst.idx.add.f32.msk $0xffff, v0;
	(pc) =	sbr.rel @p0 .LBB2_1-.Ltmp1, $4  }
0x19: {  	[hbm4b:s5+s2] =	stream.linear.scatter [tilespmem:s7], [sflag:$0x1], $0x2710, $0x38;
	[tilespmem:$0x4F00] =	vst v63  }
0x1a: {  	_ =	swait.ge [sflag:s8], $0x2710  }
0x1b: {  	[sflag:s8] =	ssyncset.done $0x0  }
0x1c: {  	[sflag:s8] =	ssyncadd.s32 $0xFFFFD8F0  }
0x1d: {  	_ =	sfence.sel $0x180000  }
0x1e: {  	[bflag:$0x0] =	sbarrier.arrive $0xFFFF  }
0x1f: {  	p0 =	sne.s32 s0, $0x0;
	_ =	strace $0x90000047  }
0x20: {  	s0 =	sadd.s32 @!p0 $0x100000, s1;
	[bflag:$0x2] =	sbarrier.arrive $0xFFFF  }
0x21: {  	[sflag:s0] =	ssyncadd.tile.s32 @!p0 $0x1;
	_ =	shalt  }
.Lfunc_end2:
_tile_overlayer_lowered:
.L_overlay_start_2:
0x22: {  	(tag) =	ssettag $0x2  }
0x23: {  	s0 =	rddreg [dreg:$0x0];
	s2 =	stileid.u32  }
0x24: {  	s1 =	rddreg [dreg:$0x1];
	p0 =	sne.s32 s2, $0x0  }
0x25: {  	s3 =	rddreg [dreg:$0x2];
	[bflag:$0x3] =	sbarrier.arrive $0xFFFF;
	s2 =	simm.s32 @!p0 $0x1C01  }
0x26: {  	[timem:s3], [sflag:s2] =	dma.local @!p0 [hbm:s0], s1  }
0x27: {  	s0 =	simm.s32 @!p0 $0x1  }
0x28: {  	_ =	swait.ge @!p0 [sflag:s0], s1  }
0x29: {  	s1 =	ssub.s32 @!p0 $0x0, s1;
	[sflag:s0] =	ssyncset.done @!p0 $0x0  }
0x2a: {  	[sflag:s0] =	ssyncadd.s32 @!p0 s1  }
0x2b: {  	[bflag:$0x3] =	sbarrier.arrive $0xFFFF  }
0x2c: {  	_ =	shalt  }

// kernel: kernel.9.cloned.1.call-start
scs
__scs_entry_jumppad:
0x0: {  	(pc) =	sbr.rel $0x88, $3  }
0x1: {  	(tag) =	ssettag $0x0;
	lr =	simm.s32 $0x1  }
0x2: {  	[smem:$0x3F9C] =	sst lr;
	_ =	strace $0xD0000000  }
0x3: {  	_ = 	snop  }
0x4: {  	_ = 	snop  }
0x5: {  	_ = 	snop  }
0x6: {  	_ = 	snop  }
0x7: {  	_ = 	snop  }
__scs_overlays_trampoline_lowered:
0x8: {  	[smem:$0x3FAB] =	sst s0  }
0x9: {  	[smem:$0x3FAC] =	sst s1  }
0xa: {  	[smem:$0x3FAD] =	sst s2  }
0xb: {  	[smem:$0x3FAE] =	sst s3  }
0xc: {  	[smem:$0x3FAF] =	sst s4  }
0xd: {  	[smem:$0x3FB0] =	sst s5  }
0xe: {  	[smem:$0x3FB1] =	sst s6  }
0xf: {  	[smem:$0x3FB2] =	sst s7  }
0x10: {  	[smem:$0x3FB3] =	sst s8  }
0x11: {  	[smem:$0x3FB4] =	sst s9;
	s0 =	simm.s32 @!p0 $0x0  }
0x12: {  	s1 =	sld [smem:$0x3F9A];
	s0 =	simm.s32 @p0 $0x1  }
0x13: {  	[smem:$0x3FB5] =	sst s0;
	s0 =	simm.s32 @!p1 $0x0  }
0x14: {  	s2 =	sld [smem:$0x3F99];
	s0 =	simm.s32 @p1 $0x1  }
0x15: {  	[smem:$0x3FB6] =	sst s0;
	s0 =	simm.s32 @!p2 $0x0  }
0x16: {  	s3 =	sld [smem:$0x3FDB];
	s0 =	simm.s32 @p2 $0x1  }
0x17: {  	s4 =	simm.s32 $0x1BF5;
	[smem:$0x3FB8] =	sst s0  }
0x18: {  	s0 =	sld [smem:$0x3F9B];
	_ =	swait.ge [sflag:s4], $0x0  }
0x19: {  	s7 =	sld [smem:$0x3F9C]  }
0x1a: {  	s8 =	sadd.s32 $0xFFFFE003, lr  }
0x1b: {  	s9 =	sadd.s32 $0xFFFFFEF7, lr;
	s5 =	simm.s32 $0xFFFFFFFF;
	p2 =	slt.u32 s8, $0xFFFFF086  }
0x1c: {  	p1 =	slt.u32 s9, $0xF7A;
	s5 =	simm.s32 @!p2 $0x0  }
0x1d: {  	s5 =	simm.s32 @p1 $0x1;
	p0 =	seq.s32 s7, s2  }
0x1e: {  	s7 =	smul.u32 @!p0 $0xF7A, s2;
	p2 =	seq.s32 @!p0 s5, $0x0  }
0x1f: {  	s9 =	smul.u32 $0xF7A, s1;
	s8 =	simm.s32 @!p0 $0x1BF5;
	p2 =	por !p2, p0  }
0x20: {  	[sflag:s8] =	ssyncset.s32 @!p0 $0xFFFFF086;
	s6 =	sadd.s32 @!p0 s3, s7;
	s7 =	simm.s32 @!p0 $0x108  }
0x21: {  	s3 =	sadd.s32 s3, s9;
	s6 =	sadd.s32 @!p0 $0x88, s6;
	s7 =	simm.s32 @p2 $0x1082  }
0x22: {  	[simem:s7], [sflag:s8] =	dma.local @!p0 [hbm:s6], $0xF7A  }
0x23: {  	s9 =	sor.u32 $0xD0000000, s2;
	s6 =	simm.s32 $0x108;
	_ =	swait.ge @!p0 [sflag:s8], $0x0  }
0x24: {  	s3 =	sadd.s32 $0x88, s3;
	s6 =	simm.s32 @!p1 $0x1082;
	[sflag:s4] =	ssyncset.s32 $0xFFFFF086  }
0x25: {  	[simem:s6], [sflag:s4] =	dma.local [hbm:s3], $0xF7A  }
0x26: {  	[smem:$0x3F9C] =	sst s1;
	(tag) =	ssettag s2;
	_ =	strace s9  }
0x27: {  	s1 =	sld [smem:$0x3FAC]  }
0x28: {  	s2 =	sld [smem:$0x3FAD]  }
0x29: {  	s4 =	sld [smem:$0x3FAF]  }
0x2a: {  	p0 =	seq.s32 s5, $0x0;
	s5 =	sld [smem:$0x3FB0]  }
0x2b: {  	s6 =	sld [smem:$0x3FB1]  }
0x2c: {  	s7 =	sld [smem:$0x3FB2]  }
0x2d: {  	s3 =	simm.s32 $0x108;
	s8 =	sld [smem:$0x3FB3]  }
0x2e: {  	s3 =	simm.s32 @!p0 $0x1082;
	s9 =	sld [smem:$0x3FB4]  }
0x2f: {  	lr =	sadd.s32 s0, s3;
	s0 =	sld [smem:$0x3FAB]  }
0x30: {  	s3 =	sld [smem:$0x3FAE]  }
0x31: {  	[smem:$0x3FB7] =	sst s10  }
0x32: {  	s10 =	sld [smem:$0x3FB5];
	_ =	sdelay $0x3  }
0x33: {  	p0 =	seq.s32 s10, $0x1;
	s10 =	sld [smem:$0x3FB7];
	_ =	sdelay $0x3  }
0x34: {  	[smem:$0x3FB7] =	sst s10  }
0x35: {  	s10 =	sld [smem:$0x3FB6];
	_ =	sdelay $0x3  }
0x36: {  	p1 =	seq.s32 s10, $0x1;
	s10 =	sld [smem:$0x3FB7];
	_ =	sdelay $0x3  }
0x37: {  	[smem:$0x3FB7] =	sst s10  }
0x38: {  	s10 =	sld [smem:$0x3FB8]  }
0x39: {  	_ = 	snop;
	(pc) =	sbr.ind lr, $3  }
0x3a: {  	_ = 	snop  }
0x3b: {  	_ = 	snop  }
0x3c: {  	p2 =	seq.s32 s10, $0x1;
	s10 =	sld [smem:$0x3FB7]  }
0x3d: {  	_ =	shalt  }
0x3e: {  	_ =	shalt  }
0x3f: {  	_ =	shalt  }
0x40: {  	_ =	shalt  }
0x41: {  	_ =	shalt  }
0x42: {  	_ =	shalt  }
0x43: {  	_ =	shalt  }
0x44: {  	_ =	shalt  }
0x45: {  	_ =	shalt  }
0x46: {  	_ =	shalt  }
0x47: {  	_ =	shalt  }
0x48: {  	_ =	shalt  }
0x49: {  	_ =	shalt  }
0x4a: {  	_ =	shalt  }
0x4b: {  	_ =	shalt  }
0x4c: {  	_ =	shalt  }
0x4d: {  	_ =	shalt  }
0x4e: {  	_ =	shalt  }
0x4f: {  	_ =	shalt  }
0x50: {  	_ =	shalt  }
0x51: {  	_ =	shalt  }
0x52: {  	_ =	shalt  }
0x53: {  	_ =	shalt  }
0x54: {  	_ =	shalt  }
0x55: {  	_ =	shalt  }
0x56: {  	_ =	shalt  }
0x57: {  	_ =	shalt  }
0x58: {  	_ =	shalt  }
0x59: {  	_ =	shalt  }
0x5a: {  	_ =	shalt  }
0x5b: {  	_ =	shalt  }
0x5c: {  	_ =	shalt  }
0x5d: {  	_ =	shalt  }
0x5e: {  	_ =	shalt  }
0x5f: {  	_ =	shalt  }
0x60: {  	_ =	shalt  }
0x61: {  	_ =	shalt  }
0x62: {  	_ =	shalt  }
0x63: {  	_ =	shalt  }
0x64: {  	_ =	shalt  }
0x65: {  	_ =	shalt  }
0x66: {  	_ =	shalt  }
0x67: {  	_ =	shalt  }
0x68: {  	_ =	shalt  }
0x69: {  	_ =	shalt  }
0x6a: {  	_ =	shalt  }
0x6b: {  	_ =	shalt  }
0x6c: {  	_ =	shalt  }
0x6d: {  	_ =	shalt  }
0x6e: {  	_ =	shalt  }
0x6f: {  	_ =	shalt  }
0x70: {  	_ =	shalt  }
0x71: {  	_ =	shalt  }
0x72: {  	_ =	shalt  }
0x73: {  	_ =	shalt  }
0x74: {  	_ =	shalt  }
0x75: {  	_ =	shalt  }
0x76: {  	_ =	shalt  }
0x77: {  	_ =	shalt  }
0x78: {  	_ =	shalt  }
0x79: {  	_ =	shalt  }
0x7a: {  	_ =	shalt  }
0x7b: {  	_ =	shalt  }
0x7c: {  	_ =	shalt  }
0x7d: {  	_ =	shalt  }
0x7e: {  	_ =	shalt  }
0x7f: {  	_ =	shalt  }
0x80: {  	_ =	shalt  }
0x81: {  	_ =	shalt  }
0x82: {  	_ =	shalt  }
0x83: {  	_ =	shalt  }
0x84: {  	_ =	shalt  }
0x85: {  	_ =	shalt  }
0x86: {  	_ =	shalt  }
0x87: {  	_ =	shalt  }
.Lfunc_end0:
.L_simem_size_0:
called_computation.1_lowered:
.L_overlay_start_0:
0x88: {  	s2 =	sld [smem:$0x3FD9]  }
0x89: {  	s3 =	sld [smem:$0x3FFE];
	_ =	sdelay $0x1  }
0x8a: {  	s1 =	srdreg.scid  }
0x8b: {  	s0 =	sand.u32 $0x1, s1  }
0x8c: {  	s17 =	sshll.u32 s0, $0xA;
	s2 =	sadd.s32 s3, s2  }
0x8d: {  	s2 =	sadd.s32 s2, s17  }
0x8e: {  	[smem:$0x3FC3] =	sst s2  }
0x8f: {  	_ = 	snop  }
0x90: {  	s2 =	sld [smem:$0x3FD0];
	(tm) =	ssettm $0x1  }
0x91: {  	s18 =	sld [smem:$0x3FFB];
	_ =	sdelay $0x3  }
0x92: {  	_ =	strace s18  }
0x93: {  	s3 =	sld [smem:$0x3FFC];
	_ =	sdelay $0x3  }
0x94: {  	_ =	strace s3  }
0x95: {  	s3 =	sld [smem:$0x3FFD];
	_ =	sdelay $0x3  }
0x96: {  	_ =	strace s3  }
0x97: {  	_ =	strace $0x8FFFFFFF  }
0x98: {  	s19 =	sld [smem:$0x3FDB];
	_ =	sdelay $0x1  }
0x99: {  	s4 =	simm.s32 $_scs_section_size  }
0x9a: {  	s5 =	simm.s32 $_size__tile_overlayer_lowered;
	s6 =	simm.s32 $_tile_overlayer_lowered  }
0x9b: {  	s22 =	simm.s32 $0x1BFF;
	s21 =	sshll.u32 s6, $0x1;
	s3 =	sadd.s32 s4, s19  }
0x9c: {  	s7 =	simm.s32 $0x0;
	s20 =	sshll.u32 s5, $0x1;
	s5 =	sadd.s32 s21, s3  }
0x9d: {  	[timem:s7], [sflag:s22] =	dma.local [hbm:s5], s20  }
0x9e: {  	_ =	swait.ge [sflag:s22], s20  }
0x9f: {  	s4 =	ssub.s32 $0x0, s20;
	[sflag:s22] =	ssyncset.done $0x0  }
0xa0: {  	[sflag:s22] =	ssyncadd.s32 s4;
	_ =	sdelay $0x1  }
0xa1: {  	s23 =	simm.s32 $0x1B8B  }
0xa2: {  	_ =	swait.ge [sflag:s23], $0x1  }
0xa3: {  	[sflag:s23] =	ssyncset.done $0x0  }
0xa4: {  	s25 =	simm.s32 $0x1B8E;
	s24 =	sld [smem:$0x3FFE];
	[sflag:s23] =	ssyncadd.s32 $0xFFFFFFFF  }
0xa5: {  	s26 =	simm.s32 $execute0_lowered;
	[smem:$0x3FD2] =	sst s25  }
0xa6: {  	s5 =	sshll.u32 s26, $0x1;
	_ =	strace $0x80000049;
	[dreg:$0x1] =	wrdreg $0xFFFFFFFF  }
0xa7: {  	s28 =	simm.s32 $_size_execute0_lowered;
	s3 =	sadd.s32 s3, s5;
	[dreg:$0x0] =	wrdreg $0x0  }
0xa8: {  	s5 =	sshll.u32 s28, $0x1;
	[dreg:$0x2] =	wrdreg s3  }
0xa9: {  	[dreg:$0x3] =	wrdreg s5  }
0xaa: {  	[dreg:$0x4] =	wrdreg $0xC0  }
0xab: {  	_ =	task [dreg:s7], $0x5FFFF  }
0xac: {  	[dreg:$0x1] =	wrdreg $0xFFFFFFFF  }
0xad: {  	[dreg:$0x0] =	wrdreg $0x60  }
0xae: {  	[dreg:$0x2] =	wrdreg s2  }
0xaf: {  	[dreg:$0x3] =	wrdreg s24  }
0xb0: {  	[dreg:$0x4] =	wrdreg $0x98800  }
0xb1: {  	[dreg:$0x5] =	wrdreg $0x9  }
0xb2: {  	_ =	task.clear_ibuf [dreg:s7], $0x6FFFF;
	_ =	strace $0x90000049  }
0xb3: {  	s29 =	simm.s32 $0x9;
	_ =	strace $0x8000004B  }
0xb4: {  	_ =	swait.ge [sflag:s29], $0x1  }
0xb5: {  	[sflag:s29] =	ssyncadd.s32 $0xFFFFFFFF  }
0xb6: {  	_ =	strace $0x9000004B  }
0xb7: {  	_ =	sfence  }
0xb8: {  	s30 =	sld [smem:$0x0];
	_ =	sdelay $0x2  }
0xb9: {  	s31 =	sshll.u32 s1, $0xD;
	s1 =	sshrl.u32 s1, $0x2  }
0xba: {  	s3 =	sand.u32 $0x4000, s31;
	s1 =	sadd.s32 s1, s30  }
0xbb: {  	s0 =	sor.u32 s3, s0;
	s1 =	sshll.u32 s1, $0x11  }
0xbc: {  	s0 =	sor.u32 s1, s0  }
0xbd: {  	s0 =	sadd.s32 $0x8F2B, s0  }
0xbe: {  	[sflag:s0] =	ssyncadd.remote.s32 $0x1  }
0xbf: {  	_ =	sfence.sel $0xFFFF  }
0xc0: {  	[dreg:$0x0] =	wrdreg $0xFFFFFFFF;
	(pc) =	sbr.abs _section_cstart, $3  }
0xc1: {  	[dreg:$0x1] =	wrdreg $0xFFFFFFFF  }
0xc2: {  	_ =	task.clear_ibuf [dreg:s7], $0x2FFFF;
	_ =	strace $0x9FFFFFFF  }
0xc3: {  	(tm) =	ssettm $0x7FFFFFFF  }
tec
execute0_lowered:
.L_overlay_start_1:
0x0: {  	(tag) =	ssettag $0x1  }
0x1: {  	s0 =	rddreg [dreg:$0x0];
	s1 =	srdreg.scid  }
0x2: {  	s12 =	stileid.u32;
	s6 =	rddreg [dreg:$0x1]  }
0x3: {  	s2 =	rddreg [dreg:$0x2];
	s3 =	simm.s32 $0x0;
	s18 =	simm.s32 $0x1  }
0x4: {  	s19 =	simm.s32 $0x7000;
	s20 =	simm.s32 $0x4F00;
	s21 =	simm.s32 $0x4F80  }
0x5: {  	s22 =	simm.s32 $0x26C0;
	s23 =	simm.s32 $0x10;
	s24 =	simm.s32 $0x2700  }
0x6: {  	s28 =	simm.s32 $0x0;
	s7 =	sand.u32 $0x1, s1;
	s1 =	rddreg [dreg:$0x3]  }
0x7: {  	s25 =	sshll.u32 s12, $0x1;
	[smem:$0x7FF] =	sst s3;
	s8 =	smul.u32 $0x2700, s12  }
0x8: {  	s9 =	smul.u32 $0x4E000, s12;
	s13 =	sadd.s32 $0x3C200, s6;
	s30 =	sshll.u32 s12, $0x6  }
0x9: {  	s16 =	sadd.s32 $0x138000, s2;
	p0 =	sne.s32 s12, $0x0;
	s31 =	smul.u32 $0x138800, s7  }
0xa: {  	s4 =	sor.u32 s7, s25;
	_ =	strace $0x8000004A;
	s15 =	smul.u32 $0x27100, s7  }
0xb: {  	s5 =	ssub.s32 $0x2, s7;
	s25 =	simm.s32 $0x9080;
	s4 =	smul.u32 $0x4E2, s4  }
0xc: {  	s26 =	sadd.s32 s8, s6;
	s11 =	sshrl.u32 s5, $0x1;
	s29 =	sshrl.u32 s9, $0x2  }
0xd: {  	s11 =	ssub.s32 s5, s11;
	s14 =	sadd.s32 s29, s2;
	s5 =	sor.u32 $0x1C02, s30  }
0xe: {  	s9 =	sshrl.u32 s31, $0x3;
	s15 =	sadd.s32 s8, s15;
	s10 =	sadd.s32 s4, s6  }
0xf: {  	s4 =	sadd.s32 $0x15000, s26;
	s6 =	sadd.s32 $0x3C000, s6;
	s17 =	sadd.s32 s13, s9  }
0x10: {  	s9 =	sadd.s32 s13, s15;
	s11 =	smax.u32 s11, $0x1;
	s12 =	sshrl.u32 s14, $0x3  }
0x11: {  	s13 =	simm.s32 $0x2;
	s14 =	sshrl.u32 @!p0 s16, $0x3;
	s15 =	simm.s32 $0x2780  }
0x12: {  	s16 =	simm.s32 $0x40;
	s26 =	simm.s32 $0x9000;
	s7 =	sadd.s32 $0xB200, s10  }
0x13: {  	s8 =	sadd.s32 $0x1400, s10;
	s10 =	sadd.s32 $0x27000, s17;
	s17 =	simm.s32 $0x5000  }
.LBB2_1:
0x14: {  	[spmem:s12], [sflag:s5] =	dma.local [hbm:s4], $0x2700  }
0x15: {  	_ =	swait.ge [sflag:s13], $0x2700  }
0x16: {  	[sflag:s13] =	ssyncset.done $0x0  }
0x17: {  	s29 =	simm.s32 @!p0 $0x2;
	[sflag:s13] =	ssyncadd.s32 $0xFFFFD900  }
0x18: {  	[spmem:s14], [sflag:s5] =	dma.local @!p0 [hbm:s6], $0x100  }
0x19: {  	_ =	swait.ge @!p0 [sflag:s29], $0x100  }
0x1a: {  	[sflag:s29] =	ssyncset.done @!p0 $0x0  }
0x1b: {  	[sflag:s29] =	ssyncadd.s32 @!p0 $0xFFFFFF00  }
0x1c: {  	[tilespmem:s3], [sflag:$0x2] =	stream.linear.gather [hbm4b:s7+s3], $0x2710, $0x38;
	[tilespmem:$0x1D100] =	vst v63  }
0x1d: {  	_ =	swait.ge [sflag:s13], $0x2710  }
0x1e: {  	[sflag:s13] =	ssyncset.done $0x0  }
0x1f: {  	[sflag:s13] =	ssyncadd.s32 $0xFFFFD8F0  }
0x20: {  	[tilespmem:s15], [sflag:$0x2] =	stream.linear.gather [hbm4b:s8+s3], $0x2710, $0x38;
	[tilespmem:$0x1D100] =	vst v63  }
0x21: {  	_ =	swait.ge [sflag:s13], $0x2710  }
0x22: {  	[sflag:s13] =	ssyncset.done $0x0  }
0x23: {  	[sflag:s13] =	ssyncadd.s32 $0xFFFFD8F0  }
0x24: {  	[bflag:$0x0] =	sbarrier.arrive $0xFFFF  }
0x25: {  	v0 =	vld [tilespmem:$0x2780]  }
0x26: {  	v1 =	vld [tilespmem:$0x2790]  }
0x27: {  	v2 =	vld [tilespmem:$0x27A0]  }
0x28: {  	v3 =	vld [tilespmem:$0x27B0];
	_ =	sdelay $0x1  }
0x29: {  	[tilespmem:$0x4F00] =	vst v0  }
0x2a: {  	[tilespmem:$0x4F10] =	vst v1  }
0x2b: {  	[tilespmem:$0x4F20] =	vst v2  }
0x2c: {  	s29 =	simm.s32 $0xB0;
	[tilespmem:$0x4F30] =	vst v3  }
0x2d: {  	[tilespmem:s17], [sflag:$0x1] =	stream.indirect.gather [hbm4b:s0+s16], $0x80, s3, s16, $0xb8;
	[tilespmem:$0x1D100] =	vst v63  }
0x2e: {  	v0 =	vld [tilespmem:s29+$0x2710];
	_ =	sdelay $0x4  }
0x2f: {  	[tilespmem:$0x4F80] =	vst v0  }
0x30: {  	v0 =	vld [tilespmem:s29+$0x2720];
	_ =	sdelay $0x4  }
0x31: {  	[tilespmem:$0x4F90] =	vst v0  }
0x32: {  	v0 =	vld [tilespmem:s29+$0x2730];
	_ =	sdelay $0x4  }
0x33: {  	[tilespmem:$0x4FA0] =	vst v0  }
0x34: {  	v0 =	vld [tilespmem:s29+$0x2740];
	_ =	sdelay $0x4  }
0x35: {  	[tilespmem:$0x4FB0] =	vst v0  }
0x36: {  	_ =	swait.ge [sflag:s18], $0x2000  }
0x37: {  	[sflag:s18] =	ssyncset.done $0x0  }
0x38: {  	s30 =	simm.s32 $0x40;
	[sflag:s18] =	ssyncadd.s32 $0xFFFFE000  }
0x39: {  	[tilespmem:s19], [sflag:$0x1] =	stream.indirect.gather [hbm4b:s0+s16], $0x80, s30, s16, $0xb8;
	[tilespmem:$0x1D100] =	vst v63  }
0x3a: {  	_ = 	snop  }
0x3b: {  	[spmem:s2] =	stream.indirect.scatter.add.f32 [tilespmem:s17], [sflag:$0x2], $0x80, s20, s16, $0xb8;
	[tilespmem:$0x1D100] =	vst v63  }
0x3c: {  	_ =	swait.ge [sflag:s13], $0x2000  }
0x3d: {  	[sflag:s13] =	ssyncset.done $0x0  }
0x3e: {  	[sflag:s13] =	ssyncadd.s32 $0xFFFFE000  }
0x3f: {  	v63 =	vld [tilespmem:s29+$0x2750];
	_ =	sdelay $0x4  }
0x40: {  	[tilespmem:$0x4F00] =	vst v63  }
0x41: {  	v0 =	vld [tilespmem:s29+$0x2760];
	_ =	sdelay $0x4  }
0x42: {  	[tilespmem:$0x4F10] =	vst v0  }
0x43: {  	v0 =	vld [tilespmem:s29+$0x2770];
	_ =	sdelay $0x4  }
0x44: {  	[tilespmem:$0x4F20] =	vst v0  }
0x45: {  	v0 =	vld [tilespmem:s29+$0x2780];
	_ =	sdelay $0x4  }
0x46: {  	[tilespmem:$0x4F30] =	vst v0  }
0x47: {  	_ =	swait.ge [sflag:s18], $0x2000  }
0x48: {  	[sflag:s18] =	ssyncset.done $0x0  }
0x49: {  	s29 =	simm.s32 $0x80;
	[sflag:s18] =	ssyncadd.s32 $0xFFFFE000  }
0x4a: {  	[tilespmem:s17], [sflag:$0x1] =	stream.indirect.gather [hbm4b:s0+s16], $0x80, s29, s16, $0xb8;
	[tilespmem:$0x1D100] =	vst v63  }
0x4b: {  	_ = 	snop  }
0x4c: {  	[spmem:s2] =	stream.indirect.scatter.add.f32 [tilespmem:s19], [sflag:$0x2], $0x80, s21, s16, $0xb8;
	[tilespmem:$0x1D100] =	vst v63  }
0x4d: {  	_ =	swait.ge [sflag:s13], $0x2000  }
0x4e: {  	s29 =	simm.s32 $0x4C0;
	[sflag:s13] =	ssyncset.done $0x0  }
.LBB2_2:
0x4f: {  	p1 =	sne.s32 s29, $0x9AC0  }
0x50: {  	[sflag:s13] =	ssyncadd.s32 $0xFFFFE000;
	s30 =	smov.u32 s29;
	s29 =	sadd.s32 $0x200, s29  }
0x51: {  	s30 =	sshra.s32 s30, $0x2  }
0x52: {  	v0 =	vld [tilespmem:s30+$0x2710];
	_ =	sdelay $0x4  }
0x53: {  	[tilespmem:$0x4F80] =	vst v0  }
0x54: {  	v0 =	vld [tilespmem:s30+$0x2720];
	_ =	sdelay $0x4  }
0x55: {  	[tilespmem:$0x4F90] =	vst v0  }
0x56: {  	v0 =	vld [tilespmem:s30+$0x2730];
	_ =	sdelay $0x4  }
0x57: {  	[tilespmem:$0x4FA0] =	vst v0  }
0x58: {  	v0 =	vld [tilespmem:s30+$0x2740];
	_ =	sdelay $0x4  }
0x59: {  	[tilespmem:$0x4FB0] =	vst v0  }
0x5a: {  	_ =	swait.ge [sflag:s18], $0x2000  }
0x5b: {  	[sflag:s18] =	ssyncset.done $0x0  }
0x5c: {  	s31 =	sadd.s32 $0xFFFFFF90, s30;
	[sflag:s18] =	ssyncadd.s32 $0xFFFFE000  }
0x5d: {  	[tilespmem:s19], [sflag:$0x1] =	stream.indirect.gather [hbm4b:s0+s16], $0x80, s31, s16, $0xb8;
	[tilespmem:$0x1D100] =	vst v63  }
0x5e: {  	_ = 	snop  }
0x5f: {  	[spmem:s2] =	stream.indirect.scatter.add.f32 [tilespmem:s17], [sflag:$0x2], $0x80, s20, s16, $0xb8;
	[tilespmem:$0x1D100] =	vst v63  }
0x60: {  	_ =	swait.ge [sflag:s13], $0x2000  }
0x61: {  	[sflag:s13] =	ssyncset.done $0x0  }
0x62: {  	[sflag:s13] =	ssyncadd.s32 $0xFFFFE000  }
0x63: {  	v0 =	vld [tilespmem:s30+$0x2750];
	_ =	sdelay $0x4  }
0x64: {  	[tilespmem:$0x4F00] =	vst v0  }
0x65: {  	v0 =	vld [tilespmem:s30+$0x2760];
	_ =	sdelay $0x4  }
0x66: {  	[tilespmem:$0x4F10] =	vst v0  }
0x67: {  	v0 =	vld [tilespmem:s30+$0x2770];
	_ =	sdelay $0x4  }
0x68: {  	[tilespmem:$0x4F20] =	vst v0  }
0x69: {  	v0 =	vld [tilespmem:s30+$0x2780];
	_ =	sdelay $0x4  }
0x6a: {  	[tilespmem:$0x4F30] =	vst v0  }
0x6b: {  	_ =	swait.ge [sflag:s18], $0x2000  }
0x6c: {  	[sflag:s18] =	ssyncset.done $0x0  }
0x6d: {  	s30 =	sadd.s32 $0xFFFFFFD0, s30;
	[sflag:s18] =	ssyncadd.s32 $0xFFFFE000  }
0x6e: {  	[tilespmem:s17], [sflag:$0x1] =	stream.indirect.gather [hbm4b:s0+s16], $0x80, s30, s16, $0xb8;
	[tilespmem:$0x1D100] =	vst v63  }
.Ltmp0:
0x6f: {  	_ = 	snop;
	(pc) =	sbr.rel @p1 .LBB2_2-.Ltmp0, $4  }
0x70: {  	_ = 	snop  }
0x71: {  	[spmem:s2] =	stream.indirect.scatter.add.f32 [tilespmem:s19], [sflag:$0x2], $0x80, s21, s16, $0xb8;
	[tilespmem:$0x1D100] =	vst v63  }
0x72: {  	_ =	swait.ge [sflag:s13], $0x2000  }
0x73: {  	[sflag:s13] =	ssyncset.done $0x0  }
0x74: {  	[sflag:s13] =	ssyncadd.s32 $0xFFFFE000  }
0x75: {  	v0 =	vld [tilespmem:$0x4E40]  }
0x76: {  	v1 =	vld [tilespmem:$0x4E50]  }
0x77: {  	v2 =	vld [tilespmem:$0x4E60]  }
0x78: {  	v3 =	vld [tilespmem:$0x4E70];
	_ =	sdelay $0x1  }
0x79: {  	[tilespmem:$0x4F80] =	vst v0  }
0x7a: {  	[tilespmem:$0x4F90] =	vst v1  }
0x7b: {  	[tilespmem:$0x4FA0] =	vst v2  }
0x7c: {  	[tilespmem:$0x4FB0] =	vst v3  }
0x7d: {  	_ =	swait.ge [sflag:s18], $0x2000  }
0x7e: {  	[sflag:s18] =	ssyncset.done $0x0  }
0x7f: {  	[sflag:s18] =	ssyncadd.s32 $0xFFFFE000  }
0x80: {  	[tilespmem:s19], [sflag:$0x1] =	stream.indirect.gather [hbm4b:s0+s16], $0x80, s22, s16, $0xb8;
	[tilespmem:$0x1D100] =	vst v63  }
0x81: {  	_ = 	snop  }
0x82: {  	[spmem:s2] =	stream.indirect.scatter.add.f32 [tilespmem:s17], [sflag:$0x2], $0x80, s20, s16, $0xb8;
	[tilespmem:$0x1D100] =	vst v63  }
0x83: {  	_ =	swait.ge [sflag:s13], $0x2000  }
0x84: {  	[sflag:s13] =	ssyncset.done $0x0  }
0x85: {  	[sflag:s13] =	ssyncadd.s32 $0xFFFFE000  }
0x86: {  	_ =	swait.ge [sflag:s18], $0x2000  }
0x87: {  	[sflag:s18] =	ssyncset.done $0x0  }
0x88: {  	[sflag:s18] =	ssyncadd.s32 $0xFFFFE000  }
0x89: {  	[spmem:s2] =	stream.indirect.scatter.add.f32 [tilespmem:s19], [sflag:$0x2], $0x80, s21, s16, $0xb8;
	[tilespmem:$0x1D100] =	vst v63  }
0x8a: {  	_ =	swait.ge [sflag:s13], $0x2000  }
0x8b: {  	[sflag:s13] =	ssyncset.done $0x0  }
0x8c: {  	[sflag:s13] =	ssyncadd.s32 $0xFFFFE000  }
0x8d: {  	v63 =	vld [tilespmem:$0x4E80];
	_ =	sdelay $0x4  }
0x8e: {  	[tilespmem:$0x9000] =	vst v63  }
0x8f: {  	[tilespmem:s25], [sflag:$0x1] =	stream.indirect.gather [hbm4b:s0+s23], $0x80, s24, s23, $0xb8;
	[tilespmem:$0x1D100] =	vst v63  }
0x90: {  	_ =	swait.ge [sflag:s18], $0x800  }
0x91: {  	[sflag:s18] =	ssyncset.done $0x0  }
0x92: {  	[sflag:s18] =	ssyncadd.s32 $0xFFFFF800  }
0x93: {  	[spmem:s2] =	stream.indirect.scatter.add.f32 [tilespmem:s25], [sflag:$0x2], $0x80, s26, s23, $0xb8;
	[tilespmem:$0x1D100] =	vst v63  }
0x94: {  	_ =	swait.ge [sflag:s13], $0x800  }
0x95: {  	[sflag:s13] =	ssyncset.done $0x0  }
0x96: {  	[sflag:s13] =	ssyncadd.s32 $0xFFFFF800  }
0x97: {  	[bflag:$0x0] =	sbarrier.arrive $0xFFFF  }
0x98: {  	[hbm:s9], [sflag:s5] =	dma.local [spmem:s12], $0x2700  }
0x99: {  	s28 =	sadd.s32 $0x1, s28;
	_ =	swait.ge [sflag:s13], $0x2700  }
0x9a: {  	p1 =	sne.s32 s28, s11;
	[sflag:s13] =	ssyncset.done $0x0  }
.Ltmp1:
0x9b: {  	s29 =	simm.s32 @!p0 $0x2;
	[sflag:s13] =	ssyncadd.s32 $0xFFFFD900;
	(pc) =	sbr.rel @p1 .LBB2_1-.Ltmp1, $4  }
0x9c: {  	[hbm:s10], [sflag:s5] =	dma.local @!p0 [spmem:s14], $0x100  }
0x9d: {  	_ =	swait.ge @!p0 [sflag:s29], $0x100  }
0x9e: {  	[sflag:s29] =	ssyncset.done @!p0 $0x0  }
0x9f: {  	[sflag:s29] =	ssyncadd.s32 @!p0 $0xFFFFFF00  }
0xa0: {  	_ =	sfence.sel $0x180000  }
0xa1: {  	[bflag:$0x0] =	sbarrier.arrive $0xFFFF  }
0xa2: {  	_ =	strace $0x9000004A  }
0xa3: {  	s0 =	sadd.s32 @!p0 $0x100000, s1;
	[bflag:$0x2] =	sbarrier.arrive $0xFFFF  }
0xa4: {  	[sflag:s0] =	ssyncadd.tile.s32 @!p0 $0x1;
	_ =	shalt  }
.Lfunc_end2:
_tile_overlayer_lowered:
.L_overlay_start_2:
0xa5: {  	(tag) =	ssettag $0x2  }
0xa6: {  	s0 =	rddreg [dreg:$0x0];
	s2 =	stileid.u32  }
0xa7: {  	s1 =	rddreg [dreg:$0x1];
	p0 =	sne.s32 s2, $0x0  }
0xa8: {  	s3 =	rddreg [dreg:$0x2];
	[bflag:$0x3] =	sbarrier.arrive $0xFFFF;
	s2 =	simm.s32 @!p0 $0x1C02  }
0xa9: {  	[timem:s3], [sflag:s2] =	dma.local @!p0 [hbm:s0], s1  }
0xaa: {  	s0 =	simm.s32 @!p0 $0x2  }
0xab: {  	_ =	swait.ge @!p0 [sflag:s0], s1  }
0xac: {  	s1 =	ssub.s32 @!p0 $0x0, s1;
	[sflag:s0] =	ssyncset.done @!p0 $0x0  }
0xad: {  	[sflag:s0] =	ssyncadd.s32 @!p0 s1  }
0xae: {  	[bflag:$0x3] =	sbarrier.arrive $0xFFFF  }
0xaf: {  	_ =	shalt  }

</sc_bundles>
